<compile_context>
chip_gen: v7x
topology: tpu7x:2x2x1
jax: 0.10.2.dev20260603
libtpu: 0.0.44.dev20260713+nightly
codegen_flags: <defaults>
</compile_context>

<pallas_src>
import functools

import jax
import jax.numpy as jnp
from jax import lax
from jax.experimental import pallas as pl
from jax.experimental.pallas import tpu as pltpu
from jax.experimental.pallas import tpu_sc as plsc

N = 10000
E = 320000
D_NODE = 128
D_EDGE = 16
H = 64

NC = 2
NS = 16
NW = NC * NS
EPW = E // NW
CH = 80
NCH = EPW // CH
N_PAD = 10240
RPS = N_PAD // NS
ZR = 32
LANES = 16

RN = 1000
RE = 4000


def _silu(v):
    return v * jax.nn.sigmoid(v)



def _dot(a, b):
    return jnp.dot(a, b, preferred_element_type=jnp.float32)


def _embed_proj_body(x_ref, wn_ref, bn_ref, wsd_ref, bm_ref,
                     x0_ref, ab_ref):
    x0 = _silu(_dot(x_ref[...], wn_ref[...]) + bn_ref[...])
    x0_ref[...] = x0
    ab_ref[...] = _dot(x0, wsd_ref[...]) + bm_ref[...]


def _edge_body(ea_ref, we_ref, be_ref, w01_ref, c01_ref):
    e = _silu(_dot(ea_ref[...], we_ref[...]) + be_ref[...])
    c01_ref[...] = _dot(e, w01_ref[...])


def _update_proj_body(x_ref, agg_ref, wux_ref, wua_ref, bu_ref,
                      wsd_ref, bm_ref, x1_ref, ab_ref):
    agg = (agg_ref[0] + agg_ref[1])[:, :H]
    x = x_ref[...]
    x1 = x + _silu(_dot(x, wux_ref[...]) + _dot(agg, wua_ref[...]) + bu_ref[...])
    x1_ref[...] = x1
    ab_ref[...] = _dot(x1, wsd_ref[...]) + bm_ref[...]


def _final_body(x_ref, agg_ref, wux_ref, wua_ref, bu_ref,
                xin_ref, wfx_ref, wfi_ref, bf_ref, out_ref):
    agg = (agg_ref[0] + agg_ref[1])[:, :H]
    x = x_ref[...]
    x2 = x + _silu(_dot(x, wux_ref[...]) + _dot(agg, wua_ref[...]) + bu_ref[...])
    out_ref[...] = _silu(_dot(x2, wfx_ref[...]) + _dot(xin_ref[...], wfi_ref[...])
                         + bf_ref[...])


def _row_spec(rows, cols):
    return pl.BlockSpec((rows, cols), lambda i: (i, 0))


def _full_spec(shape):
    return pl.BlockSpec(shape, lambda i: tuple(0 for _ in shape))


_fmt = jnp.float32


def _embed_proj(x_inp, wn, bn, wsd, bm):
    return pl.pallas_call(
        _embed_proj_body,
        grid=(N // RN,),
        in_specs=[_row_spec(RN, D_NODE), _full_spec((D_NODE, H)),
                  _full_spec((1, H)), _full_spec((H, 2 * H)),
                  _full_spec((1, 2 * H))],
        out_specs=[_row_spec(RN, H), _row_spec(RN, 2 * H)],
        out_shape=[jax.ShapeDtypeStruct((N, H), _fmt),
                   jax.ShapeDtypeStruct((N, 2 * H), _fmt)],
    )(x_inp, wn, bn, wsd, bm)


def _edge_proj(edge_attr, we, be, w01):
    return pl.pallas_call(
        _edge_body,
        grid=(E // RE,),
        in_specs=[_row_spec(RE, D_EDGE), _full_spec((D_EDGE, H)),
                  _full_spec((1, H)), _full_spec((H, 2 * H))],
        out_specs=[_row_spec(RE, 2 * H)],
        out_shape=[jax.ShapeDtypeStruct((E, 2 * H), _fmt)],
    )(edge_attr, we, be, w01)[0]


def _update_proj(x, agg2, wux, wua, bu, wsd, bm):
    return pl.pallas_call(
        _update_proj_body,
        grid=(N // RN,),
        in_specs=[_row_spec(RN, H),
                  pl.BlockSpec((2, RN, 2 * H), lambda i: (0, i, 0)),
                  _full_spec((H, H)), _full_spec((H, H)), _full_spec((1, H)),
                  _full_spec((H, 2 * H)), _full_spec((1, 2 * H))],
        out_specs=[_row_spec(RN, H), _row_spec(RN, 2 * H)],
        out_shape=[jax.ShapeDtypeStruct((N, H), _fmt),
                   jax.ShapeDtypeStruct((N, 2 * H), _fmt)],
    )(x, agg2, wux, wua, bu, wsd, bm)


def _final(x, agg2, wux, wua, bu, x_inp, wfx, wfi, bf):
    return pl.pallas_call(
        _final_body,
        grid=(N // RN,),
        in_specs=[_row_spec(RN, H),
                  pl.BlockSpec((2, RN, 2 * H), lambda i: (0, i, 0)),
                  _full_spec((H, H)), _full_spec((H, H)), _full_spec((1, H)),
                  _row_spec(RN, D_NODE), _full_spec((H, H)),
                  _full_spec((D_NODE, H)), _full_spec((1, H))],
        out_specs=[_row_spec(RN, H)],
        out_shape=[jax.ShapeDtypeStruct((N, H), _fmt)],
    )(x, agg2, wux, wua, bu, x_inp, wfx, wfi, bf)[0]



def _edge_pass_body(coff, ab_hbm, c_hbm, src_hbm, dst_hbm, out_hbm,
                    srcc, dstc, av, bv, cv, stage, agg_sh, s1, s2, s3):
    c = lax.axis_index("c")
    s = lax.axis_index("s")
    wid = s * NC + c
    base_e = wid * EPW

    def _zero_row(r, _):
        for q in range(2 * H // LANES):
            stage[r, pl.ds(q * LANES, LANES)] = jnp.zeros((LANES,), _fmt)
        return 0
    lax.fori_loop(0, ZR, _zero_row, 0)

    def _zero_slab(t, _):
        pltpu.sync_copy(stage, agg_sh.at[pl.ds(s * RPS + t * ZR, ZR)])
        return 0
    lax.fori_loop(0, RPS // ZR, _zero_slab, 0)
    plsc.subcore_barrier()

    def _chunk(j, _):
        eoff = base_e + j * CH
        pltpu.sync_copy(src_hbm.at[pl.ds(eoff, CH)], srcc)
        pltpu.sync_copy(dst_hbm.at[pl.ds(eoff, CH)], dstc)
        ga = pltpu.async_copy(ab_hbm.at[srcc], av, s1)
        gb = pltpu.async_copy(ab_hbm.at[dstc], bv, s2)
        gc = pltpu.async_copy(c_hbm.at[pl.ds(eoff, CH)], cv, s3)
        ga.wait()
        gb.wait()
        gc.wait()

        def _row(r, _):
            for q in range(H // LANES):
                sl = pl.ds(q * LANES, LANES)
                v = (av[r, sl] + bv[r, pl.ds(H + q * LANES, LANES)]
                     + cv[r, pl.ds(coff + q * LANES, LANES)])
                cv[r, sl] = v / (1.0 + jnp.exp(-v))
            return 0
        lax.fori_loop(0, CH, _row, 0)

        pltpu.sync_copy(cv, agg_sh.at[dstc], add=True)
        return 0

    lax.fori_loop(0, NCH, _chunk, 0)
    plsc.subcore_barrier()

    pltpu.sync_copy(agg_sh.at[pl.ds(s * RPS, RPS)], out_hbm.at[c, s])


def _make_edge_pass(coff):
    @functools.partial(
        pl.kernel,
        out_type=jax.ShapeDtypeStruct((NC, NS, RPS, 2 * H), jnp.float32),
        mesh=plsc.VectorSubcoreMesh(core_axis_name="c", subcore_axis_name="s"),
        scratch_types=[
            pltpu.VMEM((CH,), jnp.int32),
            pltpu.VMEM((CH,), jnp.int32),
            pltpu.VMEM((CH, 2 * H), jnp.float32),
            pltpu.VMEM((CH, 2 * H), jnp.float32),
            pltpu.VMEM((CH, 2 * H), jnp.float32),
            pltpu.VMEM((ZR, 2 * H), jnp.float32),
            pltpu.VMEM_SHARED((N_PAD, 2 * H), jnp.float32),
            pltpu.SemaphoreType.DMA,
            pltpu.SemaphoreType.DMA,
            pltpu.SemaphoreType.DMA,
        ],
    )
    def _edge_pass(ab_hbm, c_hbm, src_hbm, dst_hbm, out_hbm,
                   srcc, dstc, av, bv, cv, stage, agg_sh, s1, s2, s3):
        _edge_pass_body(coff, ab_hbm, c_hbm, src_hbm, dst_hbm, out_hbm,
                        srcc, dstc, av, bv, cv, stage, agg_sh, s1, s2, s3)
    return _edge_pass


_edge_pass0 = _make_edge_pass(0)
_edge_pass1 = _make_edge_pass(H)



def kernel(x_inp, edge_index, edge_attr, W_node, b_node, W_edge, b_edge,
           W_msg0, b_msg0, W_upd0, b_upd0, W_msg1, b_msg1, W_upd1, b_upd1,
           W_fin, b_fin):
    f32 = jnp.float32
    src1d = edge_index[0].astype(jnp.int32)
    dst1d = edge_index[1].astype(jnp.int32)

    bn = b_node.reshape(1, H)
    be = b_edge.reshape(1, H)
    bm0 = b_msg0.reshape(1, H)
    bm1 = b_msg1.reshape(1, H)
    bu0 = b_upd0.reshape(1, H)
    bu1 = b_upd1.reshape(1, H)
    bf = b_fin.reshape(1, H)

    w01e = jnp.concatenate([W_msg0[2 * H:], W_msg1[2 * H:]], axis=1)
    wsd0 = jnp.concatenate([W_msg0[:H], W_msg0[H:2 * H]], axis=1)
    wsd1 = jnp.concatenate([W_msg1[:H], W_msg1[H:2 * H]], axis=1)
    bsd0 = jnp.concatenate([jnp.zeros((1, H), f32), bm0], axis=1)
    bsd1 = jnp.concatenate([jnp.zeros((1, H), f32), bm1], axis=1)
    wu0x, wu0a = W_upd0[:H], W_upd0[H:]
    wu1x, wu1a = W_upd1[:H], W_upd1[H:]
    wfx, wfi = W_fin[:H], W_fin[H:]

    x0, ab0 = _embed_proj(x_inp.astype(f32), W_node, bn, wsd0, bsd0)
    c01 = _edge_proj(edge_attr.astype(f32), W_edge, be, w01e)

    agg0 = _edge_pass0(ab0, c01, src1d, dst1d).reshape(NC, N_PAD, 2 * H)
    x1, ab1 = _update_proj(x0, agg0, wu0x, wu0a, bu0, wsd1, bsd1)
    agg1 = _edge_pass1(ab1, c01, src1d, dst1d).reshape(NC, N_PAD, 2 * H)
    return _final(x1, agg1, wu1x, wu1a, bu1, x_inp.astype(f32), wfx, wfi, bf)

# --- scband reference (transcript-rebuilt; emitter-appended) ---
"""Pipeline reference for scband-graph-embedding-model-4037269259018 (READ-ONLY COPY).

The authoritative reference and input builder live on the scoring server;
editing this copy changes nothing except your own understanding.
"""

import jax, jax.numpy as jnp
import numpy as np

N = 10000
E = 320000
D_NODE = 128
D_EDGE = 16
H = 64

def silu(x):
    return x * jax.nn.sigmoid(x)

def _w(k, shape):
    return jax.random.normal(k, shape, dtype=jnp.float32) * (1.0 / np.sqrt(shape[0]))

def setup_inputs(seed: int = 0):
    key = jax.random.key(seed)
    ks = jax.random.split(key, 20)
    inp = {}
    inp['x_inp'] = jax.random.normal(ks[0], (N, D_NODE), dtype=jnp.float32)
    inp['edge_index'] = jax.random.randint(ks[1], (2, E), 0, N, dtype=jnp.int32)
    inp['edge_attr'] = jax.random.normal(ks[2], (E, D_EDGE), dtype=jnp.float32)
    # node_embedding: Linear(node_input_dim -> hidden_dim) + SiLU
    inp['W_node'] = _w(ks[3], (D_NODE, H)); inp['b_node'] = jnp.zeros((H,), jnp.float32)
    # edge_embedding: Linear(edge_input_dim -> hidden_dim) + SiLU
    inp['W_edge'] = _w(ks[4], (D_EDGE, H)); inp['b_edge'] = jnp.zeros((H,), jnp.float32)
    # ResidualBlock 0: message MLP on [x_src, x_dst, e] and update MLP on [x, agg]
    inp['W_msg0'] = _w(ks[5], (3 * H, H)); inp['b_msg0'] = jnp.zeros((H,), jnp.float32)
    inp['W_upd0'] = _w(ks[6], (2 * H, H)); inp['b_upd0'] = jnp.zeros((H,), jnp.float32)
    # ResidualBlock 1
    inp['W_msg1'] = _w(ks[7], (3 * H, H)); inp['b_msg1'] = jnp.zeros((H,), jnp.float32)
    inp['W_upd1'] = _w(ks[8], (2 * H, H)); inp['b_upd1'] = jnp.zeros((H,), jnp.float32)
    # final_node_embedding: Linear(hidden_dim + node_input_dim -> hidden_dim) + SiLU
    inp['W_fin'] = _w(ks[9], (H + D_NODE, H)); inp['b_fin'] = jnp.zeros((H,), jnp.float32)
    return inp

def reference(x_inp, edge_index, edge_attr, W_node, b_node, W_edge, b_edge,
              W_msg0, b_msg0, W_upd0, b_upd0, W_msg1, b_msg1, W_upd1, b_upd1,
              W_fin, b_fin):
    src = edge_index[0]
    dst = edge_index[1]
    n = x_inp.shape[0]
    x_emb = silu(x_inp @ W_node + b_node)
    e = silu(edge_attr @ W_edge + b_edge)
    for (Wm, bm, Wu, bu) in ((W_msg0, b_msg0, W_upd0, b_upd0),
                             (W_msg1, b_msg1, W_upd1, b_upd1)):
        m = silu(jnp.concatenate([x_emb[src], x_emb[dst], e], axis=-1) @ Wm + bm)
        agg = jax.ops.segment_sum(m, dst, num_segments=n)
        x_emb = x_emb + silu(jnp.concatenate([x_emb, agg], axis=-1) @ Wu + bu)
    x_emb = jnp.concatenate([x_emb, x_inp], axis=-1)
    out = silu(x_emb @ W_fin + b_fin)
    return out

if __name__ == "__main__":
    import jax
    _d = setup_inputs()
    print(jax.jit(kernel)(*tuple(_d.values())))

</pallas_src>

<mosaic_0001>
#map = affine_map<(d0, d1) -> (0, 0)>
#map1 = affine_map<(d0, d1) -> (0)>
#map2 = affine_map<(d0, d1) -> (0, 0, 0, 0)>
module attributes {stable_mosaic.version = 14 : i64} {
  func.func @_edge_pass(%arg0: i32, %arg1: i32, %arg2: memref<10000x128xf32, #tpu.memory_space<hbm>>, %arg3: memref<320000x128xf32, #tpu.memory_space<hbm>>, %arg4: memref<320000xi32, #tpu.memory_space<hbm>>, %arg5: memref<320000xi32, #tpu.memory_space<hbm>>, %arg6: memref<2x16x640x128xf32, #tpu.memory_space<hbm>>, %arg7: memref<80xi32, #tpu.memory_space<vmem>>, %arg8: memref<80xi32, #tpu.memory_space<vmem>>, %arg9: memref<80x128xf32, #tpu.memory_space<vmem>>, %arg10: memref<80x128xf32, #tpu.memory_space<vmem>>, %arg11: memref<80x128xf32, #tpu.memory_space<vmem>>, %arg12: memref<32x128xf32, #tpu.memory_space<vmem>>, %arg13: memref<10240x128xf32, #tpu.memory_space<vmem_shared>>, %arg14: memref<!tpu.dma_semaphore, #tpu.memory_space<semaphore_mem>>, %arg15: memref<!tpu.dma_semaphore, #tpu.memory_space<semaphore_mem>>, %arg16: memref<!tpu.dma_semaphore, #tpu.memory_space<semaphore_mem>>) attributes {dimension_semantics = [#tpu.dimension_semantics<core_parallel>, #tpu.dimension_semantics<subcore_parallel>], iteration_bounds = array<i64: 2, 16>, scalar_prefetch = 0 : i64, scratch_operands = 10 : i64, tpu.core_type = #tpu.core_type<sc_vector_subcore>, window_params = [{transform_indices = #map}, {transform_indices = #map}, {transform_indices = #map1}, {transform_indices = #map1}, {transform_indices = #map2}]} {
    %mul3A = arith.constant 2 : i32
    %mul3A_0 = arith.muli %arg1, %mul3A : i32
    %add3A = arith.addi %mul3A_0, %arg0 : i32
    %mul3A_1 = arith.constant 10000 : i32
    %mul3A_2 = arith.muli %add3A, %mul3A_1 : i32
    %scan3A = arith.constant 0 : i32
    %scan3A_3 = arith.constant 0 : i32
    %scan3A_4 = arith.constant 32 : i32
    %scan3A_5 = arith.addi %scan3A_3, %scan3A_4 : i32
    %scan3A_6 = arith.constant 1 : i32
    %scan3A_7 = scf.for %scan3A_26 = %scan3A_3 to %scan3A_5 step %scan3A_6 iter_args(%scan3A_27 = %scan3A) -> (i32)  : i32 {
      %broadcast_in_dim3A = arith.constant 0.000000e+00 : f32
      %broadcast_in_dim3A_28 = vector.broadcast %broadcast_in_dim3A : f32 to vector<16xf32>
      %swap3A = arith.index_cast %scan3A_26 : i32 to index
      %swap3A_29 = arith.constant 0 : index
      %swap3A_30 = tpu.vector_load %arg12[%swap3A, %swap3A_29] {strides = array<i32>} : memref<32x128xf32, #tpu.memory_space<vmem>>, vector<1x16xf32>,
      %swap3A_31 = vector.shape_cast %swap3A_30 : vector<1x16xf32> to vector<16xf32>
      %swap3A_32 = vector.shape_cast %broadcast_in_dim3A_28 : vector<16xf32> to vector<1x16xf32>
      tpu.vector_store %arg12[%swap3A, %swap3A_29], %swap3A_32 {strides = array<i32>} : memref<32x128xf32, #tpu.memory_space<vmem>>, vector<1x16xf32>,
      %broadcast_in_dim3A_33 = arith.constant 0.000000e+00 : f32
      %broadcast_in_dim3A_34 = vector.broadcast %broadcast_in_dim3A_33 : f32 to vector<16xf32>
      %swap3A_35 = arith.index_cast %scan3A_26 : i32 to index
      %swap3A_36 = arith.constant 16 : index
      %swap3A_37 = tpu.vector_load %arg12[%swap3A_35, %swap3A_36] {strides = array<i32>} : memref<32x128xf32, #tpu.memory_space<vmem>>, vector<1x16xf32>,
      %swap3A_38 = vector.shape_cast %swap3A_37 : vector<1x16xf32> to vector<16xf32>
      %swap3A_39 = vector.shape_cast %broadcast_in_dim3A_34 : vector<16xf32> to vector<1x16xf32>
      tpu.vector_store %arg12[%swap3A_35, %swap3A_36], %swap3A_39 {strides = array<i32>} : memref<32x128xf32, #tpu.memory_space<vmem>>, vector<1x16xf32>,
      %broadcast_in_dim3A_40 = arith.constant 0.000000e+00 : f32
      %broadcast_in_dim3A_41 = vector.broadcast %broadcast_in_dim3A_40 : f32 to vector<16xf32>
      %swap3A_42 = arith.index_cast %scan3A_26 : i32 to index
      %swap3A_43 = arith.constant 32 : index
      %swap3A_44 = tpu.vector_load %arg12[%swap3A_42, %swap3A_43] {strides = array<i32>} : memref<32x128xf32, #tpu.memory_space<vmem>>, vector<1x16xf32>,
      %swap3A_45 = vector.shape_cast %swap3A_44 : vector<1x16xf32> to vector<16xf32>
      %swap3A_46 = vector.shape_cast %broadcast_in_dim3A_41 : vector<16xf32> to vector<1x16xf32>
      tpu.vector_store %arg12[%swap3A_42, %swap3A_43], %swap3A_46 {strides = array<i32>} : memref<32x128xf32, #tpu.memory_space<vmem>>, vector<1x16xf32>,
      %broadcast_in_dim3A_47 = arith.constant 0.000000e+00 : f32
      %broadcast_in_dim3A_48 = vector.broadcast %broadcast_in_dim3A_47 : f32 to vector<16xf32>
      %swap3A_49 = arith.index_cast %scan3A_26 : i32 to index
      %swap3A_50 = arith.constant 48 : index
      %swap3A_51 = tpu.vector_load %arg12[%swap3A_49, %swap3A_50] {strides = array<i32>} : memref<32x128xf32, #tpu.memory_space<vmem>>, vector<1x16xf32>,
      %swap3A_52 = vector.shape_cast %swap3A_51 : vector<1x16xf32> to vector<16xf32>
      %swap3A_53 = vector.shape_cast %broadcast_in_dim3A_48 : vector<16xf32> to vector<1x16xf32>
      tpu.vector_store %arg12[%swap3A_49, %swap3A_50], %swap3A_53 {strides = array<i32>} : memref<32x128xf32, #tpu.memory_space<vmem>>, vector<1x16xf32>,
      %broadcast_in_dim3A_54 = arith.constant 0.000000e+00 : f32
      %broadcast_in_dim3A_55 = vector.broadcast %broadcast_in_dim3A_54 : f32 to vector<16xf32>
      %swap3A_56 = arith.index_cast %scan3A_26 : i32 to index
      %swap3A_57 = arith.constant 64 : index
      %swap3A_58 = tpu.vector_load %arg12[%swap3A_56, %swap3A_57] {strides = array<i32>} : memref<32x128xf32, #tpu.memory_space<vmem>>, vector<1x16xf32>,
      %swap3A_59 = vector.shape_cast %swap3A_58 : vector<1x16xf32> to vector<16xf32>
      %swap3A_60 = vector.shape_cast %broadcast_in_dim3A_55 : vector<16xf32> to vector<1x16xf32>
      tpu.vector_store %arg12[%swap3A_56, %swap3A_57], %swap3A_60 {strides = array<i32>} : memref<32x128xf32, #tpu.memory_space<vmem>>, vector<1x16xf32>,
      %broadcast_in_dim3A_61 = arith.constant 0.000000e+00 : f32
      %broadcast_in_dim3A_62 = vector.broadcast %broadcast_in_dim3A_61 : f32 to vector<16xf32>
      %swap3A_63 = arith.index_cast %scan3A_26 : i32 to index
      %swap3A_64 = arith.constant 80 : index
      %swap3A_65 = tpu.vector_load %arg12[%swap3A_63, %swap3A_64] {strides = array<i32>} : memref<32x128xf32, #tpu.memory_space<vmem>>, vector<1x16xf32>,
      %swap3A_66 = vector.shape_cast %swap3A_65 : vector<1x16xf32> to vector<16xf32>
      %swap3A_67 = vector.shape_cast %broadcast_in_dim3A_62 : vector<16xf32> to vector<1x16xf32>
      tpu.vector_store %arg12[%swap3A_63, %swap3A_64], %swap3A_67 {strides = array<i32>} : memref<32x128xf32, #tpu.memory_space<vmem>>, vector<1x16xf32>,
      %broadcast_in_dim3A_68 = arith.constant 0.000000e+00 : f32
      %broadcast_in_dim3A_69 = vector.broadcast %broadcast_in_dim3A_68 : f32 to vector<16xf32>
      %swap3A_70 = arith.index_cast %scan3A_26 : i32 to index
      %swap3A_71 = arith.constant 96 : index
      %swap3A_72 = tpu.vector_load %arg12[%swap3A_70, %swap3A_71] {strides = array<i32>} : memref<32x128xf32, #tpu.memory_space<vmem>>, vector<1x16xf32>,
      %swap3A_73 = vector.shape_cast %swap3A_72 : vector<1x16xf32> to vector<16xf32>
      %swap3A_74 = vector.shape_cast %broadcast_in_dim3A_69 : vector<16xf32> to vector<1x16xf32>
      tpu.vector_store %arg12[%swap3A_70, %swap3A_71], %swap3A_74 {strides = array<i32>} : memref<32x128xf32, #tpu.memory_space<vmem>>, vector<1x16xf32>,
      %broadcast_in_dim3A_75 = arith.constant 0.000000e+00 : f32
      %broadcast_in_dim3A_76 = vector.broadcast %broadcast_in_dim3A_75 : f32 to vector<16xf32>
      %swap3A_77 = arith.index_cast %scan3A_26 : i32 to index
      %swap3A_78 = arith.constant 112 : index
      %swap3A_79 = tpu.vector_load %arg12[%swap3A_77, %swap3A_78] {strides = array<i32>} : memref<32x128xf32, #tpu.memory_space<vmem>>, vector<1x16xf32>,
      %swap3A_80 = vector.shape_cast %swap3A_79 : vector<1x16xf32> to vector<16xf32>
      %swap3A_81 = vector.shape_cast %broadcast_in_dim3A_76 : vector<16xf32> to vector<1x16xf32>
      tpu.vector_store %arg12[%swap3A_77, %swap3A_78], %swap3A_81 {strides = array<i32>} : memref<32x128xf32, #tpu.memory_space<vmem>>, vector<1x16xf32>,
      %scan3A_82 = arith.constant 0 : i32
      scf.yield %scan3A_82 : i32
    }
    %scan3A_8 = arith.constant 32 : i32
    %scan3A_9 = arith.constant 0 : i32
    %scan3A_10 = arith.constant 0 : i32
    %scan3A_11 = arith.constant 20 : i32
    %scan3A_12 = arith.addi %scan3A_10, %scan3A_11 : i32
    %scan3A_13 = arith.constant 1 : i32
    %scan3A_14 = scf.for %scan3A_26 = %scan3A_10 to %scan3A_12 step %scan3A_13 iter_args(%scan3A_27 = %scan3A_9) -> (i32)  : i32 {
      %mul3A_28 = arith.constant 640 : i32
      %mul3A_29 = arith.muli %arg1, %mul3A_28 : i32
      %mul3A_30 = arith.constant 32 : i32
      %mul3A_31 = arith.muli %scan3A_26, %mul3A_30 : i32
      %add3A_32 = arith.addi %mul3A_29, %mul3A_31 : i32
      "tpu.region"() ({
        %run_scoped3A = tpu.sem_alloc : memref<!tpu.dma_semaphore, #tpu.memory_space<semaphore_mem>>
        %dma_start3A = arith.constant 0 : i32
        %dma_start3A_34 = tpu.memref_slice %arg13[%add3A_32, %dma_start3A] : memref<10240x128xf32, #tpu.memory_space<vmem_shared>> -> memref<32x128xf32, #tpu.memory_space<vmem_shared>>
        %dma_start3A_35 = arith.constant 0 : i32
        %dma_start3A_36 = tpu.memref_slice %arg13[%add3A_32, %dma_start3A_35] : memref<10240x128xf32, #tpu.memory_space<vmem_shared>> -> memref<32x128xf32, #tpu.memory_space<vmem_shared>>
        tpu.enqueue_dma source(%arg12 : memref<32x128xf32, #tpu.memory_space<vmem>>) target(%dma_start3A_36 : memref<32x128xf32, #tpu.memory_space<vmem_shared>>) target_semaphore(%run_scoped3A : memref<!tpu.dma_semaphore, #tpu.memory_space<semaphore_mem>>)
        %dma_wait3A = arith.constant 0 : i32
        %dma_wait3A_37 = tpu.memref_slice %arg13[%add3A_32, %dma_wait3A] : memref<10240x128xf32, #tpu.memory_space<vmem_shared>> -> memref<32x128xf32, #tpu.memory_space<vmem_shared>>
        %dma_wait3A_38 = arith.constant 0 : i32
        %dma_wait3A_39 = tpu.memref_slice %arg13[%add3A_32, %dma_wait3A_38] : memref<10240x128xf32, #tpu.memory_space<vmem_shared>> -> memref<32x128xf32, #tpu.memory_space<vmem_shared>>
        tpu.wait_dma2 semaphore(%run_scoped3A : memref<!tpu.dma_semaphore, #tpu.memory_space<semaphore_mem>>) src(%arg12 : memref<32x128xf32, #tpu.memory_space<vmem>>) dst(%dma_wait3A_39 : memref<32x128xf32, #tpu.memory_space<vmem_shared>>)
        tpu.yield
      }) : () -> ()
      %scan3A_33 = arith.constant 0 : i32
      scf.yield %scan3A_33 : i32
    }
    %scan3A_15 = arith.constant 20 : i32
    %barrier3A = arith.constant 0 : index
    tpu.barrier barrier_id(%barrier3A)
    %scan3A_16 = arith.constant 0 : i32
    %scan3A_17 = arith.constant 0 : i32
    %scan3A_18 = arith.constant 125 : i32
    %scan3A_19 = arith.addi %scan3A_17, %scan3A_18 : i32
    %scan3A_20 = arith.constant 1 : i32
    %scan3A_21 = scf.for %scan3A_26 = %scan3A_17 to %scan3A_19 step %scan3A_20 iter_args(%scan3A_27 = %scan3A_16) -> (i32)  : i32 {
      %mul3A_28 = arith.constant 80 : i32
      %mul3A_29 = arith.muli %scan3A_26, %mul3A_28 : i32
      %add3A_30 = arith.addi %mul3A_2, %mul3A_29 : i32
      "tpu.region"() ({
        %run_scoped3A = tpu.sem_alloc : memref<!tpu.dma_semaphore, #tpu.memory_space<semaphore_mem>>
        %dma_start3A_57 = tpu.memref_slice %arg4[%add3A_30] : memref<320000xi32, #tpu.memory_space<hbm>> -> memref<80xi32, #tpu.memory_space<hbm>>
        %dma_start3A_58 = tpu.memref_slice %arg4[%add3A_30] : memref<320000xi32, #tpu.memory_space<hbm>> -> memref<80xi32, #tpu.memory_space<hbm>>
        tpu.enqueue_dma source(%dma_start3A_58 : memref<80xi32, #tpu.memory_space<hbm>>) target(%arg7 : memref<80xi32, #tpu.memory_space<vmem>>) target_semaphore(%run_scoped3A : memref<!tpu.dma_semaphore, #tpu.memory_space<semaphore_mem>>)
        %dma_wait3A_59 = tpu.memref_slice %arg4[%add3A_30] : memref<320000xi32, #tpu.memory_space<hbm>> -> memref<80xi32, #tpu.memory_space<hbm>>
        %dma_wait3A_60 = tpu.memref_slice %arg4[%add3A_30] : memref<320000xi32, #tpu.memory_space<hbm>> -> memref<80xi32, #tpu.memory_space<hbm>>
        tpu.wait_dma2 semaphore(%run_scoped3A : memref<!tpu.dma_semaphore, #tpu.memory_space<semaphore_mem>>) src(%dma_wait3A_60 : memref<80xi32, #tpu.memory_space<hbm>>) dst(%arg7 : memref<80xi32, #tpu.memory_space<vmem>>)
        tpu.yield
      }) : () -> ()
      "tpu.region"() ({
        %run_scoped3A = tpu.sem_alloc : memref<!tpu.dma_semaphore, #tpu.memory_space<semaphore_mem>>
        %dma_start3A_57 = tpu.memref_slice %arg5[%add3A_30] : memref<320000xi32, #tpu.memory_space<hbm>> -> memref<80xi32, #tpu.memory_space<hbm>>
        %dma_start3A_58 = tpu.memref_slice %arg5[%add3A_30] : memref<320000xi32, #tpu.memory_space<hbm>> -> memref<80xi32, #tpu.memory_space<hbm>>
        tpu.enqueue_dma source(%dma_start3A_58 : memref<80xi32, #tpu.memory_space<hbm>>) target(%arg8 : memref<80xi32, #tpu.memory_space<vmem>>) target_semaphore(%run_scoped3A : memref<!tpu.dma_semaphore, #tpu.memory_space<semaphore_mem>>)
        %dma_wait3A_59 = tpu.memref_slice %arg5[%add3A_30] : memref<320000xi32, #tpu.memory_space<hbm>> -> memref<80xi32, #tpu.memory_space<hbm>>
        %dma_wait3A_60 = tpu.memref_slice %arg5[%add3A_30] : memref<320000xi32, #tpu.memory_space<hbm>> -> memref<80xi32, #tpu.memory_space<hbm>>
        tpu.wait_dma2 semaphore(%run_scoped3A : memref<!tpu.dma_semaphore, #tpu.memory_space<semaphore_mem>>) src(%dma_wait3A_60 : memref<80xi32, #tpu.memory_space<hbm>>) dst(%arg8 : memref<80xi32, #tpu.memory_space<vmem>>)
        tpu.yield
      }) : () -> ()
      %dma_start3A = arith.constant 0 : i32
      %dma_start3A_31 = arith.constant 0 : i32
      %dma_start3A_32 = tpu.memref_slice %arg2[%dma_start3A, %dma_start3A_31] : memref<10000x128xf32, #tpu.memory_space<hbm>> -> memref<10000x128xf32, #tpu.memory_space<hbm>>
      tpu.enqueue_indirect_dma source(%dma_start3A_32 : memref<10000x128xf32, #tpu.memory_space<hbm>>) target(%arg9 : memref<80x128xf32, #tpu.memory_space<vmem>>) offsets(%arg7 : memref<80xi32, #tpu.memory_space<vmem>>) semaphore(%arg14 : memref<!tpu.dma_semaphore, #tpu.memory_space<semaphore_mem>>)
      %dma_start3A_33 = arith.constant 0 : i32
      %dma_start3A_34 = arith.constant 0 : i32
      %dma_start3A_35 = tpu.memref_slice %arg2[%dma_start3A_33, %dma_start3A_34] : memref<10000x128xf32, #tpu.memory_space<hbm>> -> memref<10000x128xf32, #tpu.memory_space<hbm>>
      tpu.enqueue_indirect_dma source(%dma_start3A_35 : memref<10000x128xf32, #tpu.memory_space<hbm>>) target(%arg10 : memref<80x128xf32, #tpu.memory_space<vmem>>) offsets(%arg8 : memref<80xi32, #tpu.memory_space<vmem>>) semaphore(%arg15 : memref<!tpu.dma_semaphore, #tpu.memory_space<semaphore_mem>>)
      %dma_start3A_36 = arith.constant 0 : i32
      %dma_start3A_37 = tpu.memref_slice %arg3[%add3A_30, %dma_start3A_36] : memref<320000x128xf32, #tpu.memory_space<hbm>> -> memref<80x128xf32, #tpu.memory_space<hbm>>
      %dma_start3A_38 = arith.constant 0 : i32
      %dma_start3A_39 = tpu.memref_slice %arg3[%add3A_30, %dma_start3A_38] : memref<320000x128xf32, #tpu.memory_space<hbm>> -> memref<80x128xf32, #tpu.memory_space<hbm>>
      tpu.enqueue_dma source(%dma_start3A_39 : memref<80x128xf32, #tpu.memory_space<hbm>>) target(%arg11 : memref<80x128xf32, #tpu.memory_space<vmem>>) target_semaphore(%arg16 : memref<!tpu.dma_semaphore, #tpu.memory_space<semaphore_mem>>)
      %dma_wait3A = arith.constant 0 : i32
      %dma_wait3A_40 = arith.constant 0 : i32
      %dma_wait3A_41 = tpu.memref_slice %arg2[%dma_wait3A, %dma_wait3A_40] : memref<10000x128xf32, #tpu.memory_space<hbm>> -> memref<10000x128xf32, #tpu.memory_space<hbm>>
      tpu.wait_indirect_dma semaphore(%arg14 : memref<!tpu.dma_semaphore, #tpu.memory_space<semaphore_mem>>) src(%dma_wait3A_41 : memref<10000x128xf32, #tpu.memory_space<hbm>>) dst(%arg9 : memref<80x128xf32, #tpu.memory_space<vmem>>)
      %dma_wait3A_42 = arith.constant 0 : i32
      %dma_wait3A_43 = arith.constant 0 : i32
      %dma_wait3A_44 = tpu.memref_slice %arg2[%dma_wait3A_42, %dma_wait3A_43] : memref<10000x128xf32, #tpu.memory_space<hbm>> -> memref<10000x128xf32, #tpu.memory_space<hbm>>
      tpu.wait_indirect_dma semaphore(%arg15 : memref<!tpu.dma_semaphore, #tpu.memory_space<semaphore_mem>>) src(%dma_wait3A_44 : memref<10000x128xf32, #tpu.memory_space<hbm>>) dst(%arg10 : memref<80x128xf32, #tpu.memory_space<vmem>>)
      %dma_wait3A_45 = arith.constant 0 : i32
      %dma_wait3A_46 = tpu.memref_slice %arg3[%add3A_30, %dma_wait3A_45] : memref<320000x128xf32, #tpu.memory_space<hbm>> -> memref<80x128xf32, #tpu.memory_space<hbm>>
      %dma_wait3A_47 = arith.constant 0 : i32
      %dma_wait3A_48 = tpu.memref_slice %arg3[%add3A_30, %dma_wait3A_47] : memref<320000x128xf32, #tpu.memory_space<hbm>> -> memref<80x128xf32, #tpu.memory_space<hbm>>
      tpu.wait_dma2 semaphore(%arg16 : memref<!tpu.dma_semaphore, #tpu.memory_space<semaphore_mem>>) src(%dma_wait3A_48 : memref<80x128xf32, #tpu.memory_space<hbm>>) dst(%arg11 : memref<80x128xf32, #tpu.memory_space<vmem>>)
      %scan3A_49 = arith.constant 0 : i32
      %scan3A_50 = arith.constant 0 : i32
      %scan3A_51 = arith.constant 80 : i32
      %scan3A_52 = arith.addi %scan3A_50, %scan3A_51 : i32
      %scan3A_53 = arith.constant 1 : i32
      %scan3A_54 = scf.for %scan3A_57 = %scan3A_50 to %scan3A_52 step %scan3A_53 iter_args(%scan3A_58 = %scan3A_49) -> (i32)  : i32 {
        %get3A = arith.index_cast %scan3A_57 : i32 to index
        %get3A_59 = arith.constant 0 : index
        %get3A_60 = tpu.vector_load %arg9[%get3A, %get3A_59] {strides = array<i32>} : memref<80x128xf32, #tpu.memory_space<vmem>>, vector<1x16xf32>,
        %get3A_61 = vector.shape_cast %get3A_60 : vector<1x16xf32> to vector<16xf32>
        %get3A_62 = arith.index_cast %scan3A_57 : i32 to index
        %get3A_63 = arith.constant 64 : index
        %get3A_64 = tpu.vector_load %arg10[%get3A_62, %get3A_63] {strides = array<i32>} : memref<80x128xf32, #tpu.memory_space<vmem>>, vector<1x16xf32>,
        %get3A_65 = vector.shape_cast %get3A_64 : vector<1x16xf32> to vector<16xf32>
        %add3A_66 = arith.addf %get3A_61, %get3A_65 : vector<16xf32>
        %get3A_67 = arith.index_cast %scan3A_57 : i32 to index
        %get3A_68 = arith.constant 64 : index
        %get3A_69 = tpu.vector_load %arg11[%get3A_67, %get3A_68] {strides = array<i32>} : memref<80x128xf32, #tpu.memory_space<vmem>>, vector<1x16xf32>,
        %get3A_70 = vector.shape_cast %get3A_69 : vector<1x16xf32> to vector<16xf32>
        %add3A_71 = arith.addf %add3A_66, %get3A_70 : vector<16xf32>
        %neg3A = arith.constant 0.000000e+00 : f32
        %neg3A_72 = vector.broadcast %neg3A : f32 to vector<16xf32>
        %neg3A_73 = arith.subf %neg3A_72, %add3A_71 : vector<16xf32>
        %exp3A = math.exp %neg3A_73 : vector<16xf32>
        %add3A_74 = arith.constant 1.000000e+00 : f32
        %add3A_75 = vector.broadcast %add3A_74 : f32 to vector<16xf32>
        %add3A_76 = arith.addf %add3A_75, %exp3A : vector<16xf32>
        %div3A = arith.divf %add3A_71, %add3A_76 : vector<16xf32>
        %swap3A = arith.index_cast %scan3A_57 : i32 to index
        %swap3A_77 = arith.constant 0 : index
        %swap3A_78 = tpu.vector_load %arg11[%swap3A, %swap3A_77] {strides = array<i32>} : memref<80x128xf32, #tpu.memory_space<vmem>>, vector<1x16xf32>,
        %swap3A_79 = vector.shape_cast %swap3A_78 : vector<1x16xf32> to vector<16xf32>
        %swap3A_80 = vector.shape_cast %div3A : vector<16xf32> to vector<1x16xf32>
        tpu.vector_store %arg11[%swap3A, %swap3A_77], %swap3A_80 {strides = array<i32>} : memref<80x128xf32, #tpu.memory_space<vmem>>, vector<1x16xf32>,
        %get3A_81 = arith.index_cast %scan3A_57 : i32 to index
        %get3A_82 = arith.constant 16 : index
        %get3A_83 = tpu.vector_load %arg9[%get3A_81, %get3A_82] {strides = array<i32>} : memref<80x128xf32, #tpu.memory_space<vmem>>, vector<1x16xf32>,
        %get3A_84 = vector.shape_cast %get3A_83 : vector<1x16xf32> to vector<16xf32>
        %get3A_85 = arith.index_cast %scan3A_57 : i32 to index
        %get3A_86 = arith.constant 80 : index
        %get3A_87 = tpu.vector_load %arg10[%get3A_85, %get3A_86] {strides = array<i32>} : memref<80x128xf32, #tpu.memory_space<vmem>>, vector<1x16xf32>,
        %get3A_88 = vector.shape_cast %get3A_87 : vector<1x16xf32> to vector<16xf32>
        %add3A_89 = arith.addf %get3A_84, %get3A_88 : vector<16xf32>
        %get3A_90 = arith.index_cast %scan3A_57 : i32 to index
        %get3A_91 = arith.constant 80 : index
        %get3A_92 = tpu.vector_load %arg11[%get3A_90, %get3A_91] {strides = array<i32>} : memref<80x128xf32, #tpu.memory_space<vmem>>, vector<1x16xf32>,
        %get3A_93 = vector.shape_cast %get3A_92 : vector<1x16xf32> to vector<16xf32>
        %add3A_94 = arith.addf %add3A_89, %get3A_93 : vector<16xf32>
        %neg3A_95 = arith.constant 0.000000e+00 : f32
        %neg3A_96 = vector.broadcast %neg3A_95 : f32 to vector<16xf32>
        %neg3A_97 = arith.subf %neg3A_96, %add3A_94 : vector<16xf32>
        %exp3A_98 = math.exp %neg3A_97 : vector<16xf32>
        %add3A_99 = arith.constant 1.000000e+00 : f32
        %add3A_100 = vector.broadcast %add3A_99 : f32 to vector<16xf32>
        %add3A_101 = arith.addf %add3A_100, %exp3A_98 : vector<16xf32>
        %div3A_102 = arith.divf %add3A_94, %add3A_101 : vector<16xf32>
        %swap3A_103 = arith.index_cast %scan3A_57 : i32 to index
        %swap3A_104 = arith.constant 16 : index
        %swap3A_105 = tpu.vector_load %arg11[%swap3A_103, %swap3A_104] {strides = array<i32>} : memref<80x128xf32, #tpu.memory_space<vmem>>, vector<1x16xf32>,
        %swap3A_106 = vector.shape_cast %swap3A_105 : vector<1x16xf32> to vector<16xf32>
        %swap3A_107 = vector.shape_cast %div3A_102 : vector<16xf32> to vector<1x16xf32>
        tpu.vector_store %arg11[%swap3A_103, %swap3A_104], %swap3A_107 {strides = array<i32>} : memref<80x128xf32, #tpu.memory_space<vmem>>, vector<1x16xf32>,
        %get3A_108 = arith.index_cast %scan3A_57 : i32 to index
        %get3A_109 = arith.constant 32 : index
        %get3A_110 = tpu.vector_load %arg9[%get3A_108, %get3A_109] {strides = array<i32>} : memref<80x128xf32, #tpu.memory_space<vmem>>, vector<1x16xf32>,
        %get3A_111 = vector.shape_cast %get3A_110 : vector<1x16xf32> to vector<16xf32>
        %get3A_112 = arith.index_cast %scan3A_57 : i32 to index
        %get3A_113 = arith.constant 96 : index
        %get3A_114 = tpu.vector_load %arg10[%get3A_112, %get3A_113] {strides = array<i32>} : memref<80x128xf32, #tpu.memory_space<vmem>>, vector<1x16xf32>,
        %get3A_115 = vector.shape_cast %get3A_114 : vector<1x16xf32> to vector<16xf32>
        %add3A_116 = arith.addf %get3A_111, %get3A_115 : vector<16xf32>
        %get3A_117 = arith.index_cast %scan3A_57 : i32 to index
        %get3A_118 = arith.constant 96 : index
        %get3A_119 = tpu.vector_load %arg11[%get3A_117, %get3A_118] {strides = array<i32>} : memref<80x128xf32, #tpu.memory_space<vmem>>, vector<1x16xf32>,
        %get3A_120 = vector.shape_cast %get3A_119 : vector<1x16xf32> to vector<16xf32>
        %add3A_121 = arith.addf %add3A_116, %get3A_120 : vector<16xf32>
        %neg3A_122 = arith.constant 0.000000e+00 : f32
        %neg3A_123 = vector.broadcast %neg3A_122 : f32 to vector<16xf32>
        %neg3A_124 = arith.subf %neg3A_123, %add3A_121 : vector<16xf32>
        %exp3A_125 = math.exp %neg3A_124 : vector<16xf32>
        %add3A_126 = arith.constant 1.000000e+00 : f32
        %add3A_127 = vector.broadcast %add3A_126 : f32 to vector<16xf32>
        %add3A_128 = arith.addf %add3A_127, %exp3A_125 : vector<16xf32>
        %div3A_129 = arith.divf %add3A_121, %add3A_128 : vector<16xf32>
        %swap3A_130 = arith.index_cast %scan3A_57 : i32 to index
        %swap3A_131 = arith.constant 32 : index
        %swap3A_132 = tpu.vector_load %arg11[%swap3A_130, %swap3A_131] {strides = array<i32>} : memref<80x128xf32, #tpu.memory_space<vmem>>, vector<1x16xf32>,
        %swap3A_133 = vector.shape_cast %swap3A_132 : vector<1x16xf32> to vector<16xf32>
        %swap3A_134 = vector.shape_cast %div3A_129 : vector<16xf32> to vector<1x16xf32>
        tpu.vector_store %arg11[%swap3A_130, %swap3A_131], %swap3A_134 {strides = array<i32>} : memref<80x128xf32, #tpu.memory_space<vmem>>, vector<1x16xf32>,
        %get3A_135 = arith.index_cast %scan3A_57 : i32 to index
        %get3A_136 = arith.constant 48 : index
        %get3A_137 = tpu.vector_load %arg9[%get3A_135, %get3A_136] {strides = array<i32>} : memref<80x128xf32, #tpu.memory_space<vmem>>, vector<1x16xf32>,
        %get3A_138 = vector.shape_cast %get3A_137 : vector<1x16xf32> to vector<16xf32>
        %get3A_139 = arith.index_cast %scan3A_57 : i32 to index
        %get3A_140 = arith.constant 112 : index
        %get3A_141 = tpu.vector_load %arg10[%get3A_139, %get3A_140] {strides = array<i32>} : memref<80x128xf32, #tpu.memory_space<vmem>>, vector<1x16xf32>,
        %get3A_142 = vector.shape_cast %get3A_141 : vector<1x16xf32> to vector<16xf32>
        %add3A_143 = arith.addf %get3A_138, %get3A_142 : vector<16xf32>
        %get3A_144 = arith.index_cast %scan3A_57 : i32 to index
        %get3A_145 = arith.constant 112 : index
        %get3A_146 = tpu.vector_load %arg11[%get3A_144, %get3A_145] {strides = array<i32>} : memref<80x128xf32, #tpu.memory_space<vmem>>, vector<1x16xf32>,
        %get3A_147 = vector.shape_cast %get3A_146 : vector<1x16xf32> to vector<16xf32>
        %add3A_148 = arith.addf %add3A_143, %get3A_147 : vector<16xf32>
        %neg3A_149 = arith.constant 0.000000e+00 : f32
        %neg3A_150 = vector.broadcast %neg3A_149 : f32 to vector<16xf32>
        %neg3A_151 = arith.subf %neg3A_150, %add3A_148 : vector<16xf32>
        %exp3A_152 = math.exp %neg3A_151 : vector<16xf32>
        %add3A_153 = arith.constant 1.000000e+00 : f32
        %add3A_154 = vector.broadcast %add3A_153 : f32 to vector<16xf32>
        %add3A_155 = arith.addf %add3A_154, %exp3A_152 : vector<16xf32>
        %div3A_156 = arith.divf %add3A_148, %add3A_155 : vector<16xf32>
        %swap3A_157 = arith.index_cast %scan3A_57 : i32 to index
        %swap3A_158 = arith.constant 48 : index
        %swap3A_159 = tpu.vector_load %arg11[%swap3A_157, %swap3A_158] {strides = array<i32>} : memref<80x128xf32, #tpu.memory_space<vmem>>, vector<1x16xf32>,
        %swap3A_160 = vector.shape_cast %swap3A_159 : vector<1x16xf32> to vector<16xf32>
        %swap3A_161 = vector.shape_cast %div3A_156 : vector<16xf32> to vector<1x16xf32>
        tpu.vector_store %arg11[%swap3A_157, %swap3A_158], %swap3A_161 {strides = array<i32>} : memref<80x128xf32, #tpu.memory_space<vmem>>, vector<1x16xf32>,
        %scan3A_162 = arith.constant 0 : i32
        scf.yield %scan3A_162 : i32
      }
      %scan3A_55 = arith.constant 80 : i32
      "tpu.region"() ({
        %run_scoped3A = tpu.sem_alloc : memref<!tpu.dma_semaphore, #tpu.memory_space<semaphore_mem>>
        %dma_start3A_57 = arith.constant 0 : i32
        %dma_start3A_58 = arith.constant 0 : i32
        %dma_start3A_59 = tpu.memref_slice %arg13[%dma_start3A_57, %dma_start3A_58] : memref<10240x128xf32, #tpu.memory_space<vmem_shared>> -> memref<10240x128xf32, #tpu.memory_space<vmem_shared>>
        tpu.enqueue_indirect_dma source(%arg11 : memref<80x128xf32, #tpu.memory_space<vmem>>) target(%dma_start3A_59 : memref<10240x128xf32, #tpu.memory_space<vmem_shared>>) offsets(%arg8 : memref<80xi32, #tpu.memory_space<vmem>>) semaphore(%run_scoped3A : memref<!tpu.dma_semaphore, #tpu.memory_space<semaphore_mem>>) {add = true}
        %dma_wait3A_60 = arith.constant 0 : i32
        %dma_wait3A_61 = arith.constant 0 : i32
        %dma_wait3A_62 = tpu.memref_slice %arg13[%dma_wait3A_60, %dma_wait3A_61] : memref<10240x128xf32, #tpu.memory_space<vmem_shared>> -> memref<10240x128xf32, #tpu.memory_space<vmem_shared>>
        tpu.wait_indirect_dma semaphore(%run_scoped3A : memref<!tpu.dma_semaphore, #tpu.memory_space<semaphore_mem>>) src(%arg11 : memref<80x128xf32, #tpu.memory_space<vmem>>) dst(%dma_wait3A_62 : memref<10240x128xf32, #tpu.memory_space<vmem_shared>>)
        tpu.yield
      }) : () -> ()
      %scan3A_56 = arith.constant 0 : i32
      scf.yield %scan3A_56 : i32
    }
    %scan3A_22 = arith.constant 125 : i32
    %barrier3A_23 = arith.constant 0 : index
    tpu.barrier barrier_id(%barrier3A_23)
    %mul3A_24 = arith.constant 640 : i32
    %mul3A_25 = arith.muli %arg1, %mul3A_24 : i32
    "tpu.region"() ({
      %run_scoped3A = tpu.sem_alloc : memref<!tpu.dma_semaphore, #tpu.memory_space<semaphore_mem>>
      %dma_start3A = arith.constant 0 : i32
      %dma_start3A_26 = arith.constant 0 : i32
      %dma_start3A_27 = tpu.memref_slice %arg6[%arg0, %arg1, %dma_start3A, %dma_start3A_26] : memref<2x16x640x128xf32, #tpu.memory_space<hbm>> -> memref<1x1x640x128xf32, #tpu.memory_space<hbm>>
      %dma_start3A_28 = tpu.memref_squeeze %dma_start3A_27 : memref<1x1x640x128xf32, #tpu.memory_space<hbm>> -> memref<640x128xf32, #tpu.memory_space<hbm>>
      %dma_start3A_29 = arith.constant 0 : i32
      %dma_start3A_30 = tpu.memref_slice %arg13[%mul3A_25, %dma_start3A_29] : memref<10240x128xf32, #tpu.memory_space<vmem_shared>> -> memref<640x128xf32, #tpu.memory_space<vmem_shared>>
      tpu.enqueue_dma source(%dma_start3A_30 : memref<640x128xf32, #tpu.memory_space<vmem_shared>>) target(%dma_start3A_28 : memref<640x128xf32, #tpu.memory_space<hbm>>) target_semaphore(%run_scoped3A : memref<!tpu.dma_semaphore, #tpu.memory_space<semaphore_mem>>)
      %dma_wait3A = arith.constant 0 : i32
      %dma_wait3A_31 = arith.constant 0 : i32
      %dma_wait3A_32 = tpu.memref_slice %arg6[%arg0, %arg1, %dma_wait3A, %dma_wait3A_31] : memref<2x16x640x128xf32, #tpu.memory_space<hbm>> -> memref<1x1x640x128xf32, #tpu.memory_space<hbm>>
      %dma_wait3A_33 = tpu.memref_squeeze %dma_wait3A_32 : memref<1x1x640x128xf32, #tpu.memory_space<hbm>> -> memref<640x128xf32, #tpu.memory_space<hbm>>
      %dma_wait3A_34 = arith.constant 0 : i32
      %dma_wait3A_35 = tpu.memref_slice %arg13[%mul3A_25, %dma_wait3A_34] : memref<10240x128xf32, #tpu.memory_space<vmem_shared>> -> memref<640x128xf32, #tpu.memory_space<vmem_shared>>
      tpu.wait_dma2 semaphore(%run_scoped3A : memref<!tpu.dma_semaphore, #tpu.memory_space<semaphore_mem>>) src(%dma_wait3A_35 : memref<640x128xf32, #tpu.memory_space<vmem_shared>>) dst(%dma_wait3A_33 : memref<640x128xf32, #tpu.memory_space<hbm>>)
      tpu.yield
    }) : () -> ()
    return
  }
}

#map = affine_map<(d0, d1) -> (0, 0)>
#map1 = affine_map<(d0, d1) -> (0)>
#map2 = affine_map<(d0, d1) -> (0, 0, 0, 0)>
module attributes {stable_mosaic.version = 14 : i64} {
  func.func @_edge_pass(%arg0: i32, %arg1: i32, %arg2: memref<10000x128xf32, #tpu.memory_space<hbm>>, %arg3: memref<320000x128xf32, #tpu.memory_space<hbm>>, %arg4: memref<320000xi32, #tpu.memory_space<hbm>>, %arg5: memref<320000xi32, #tpu.memory_space<hbm>>, %arg6: memref<2x16x640x128xf32, #tpu.memory_space<hbm>>, %arg7: memref<80xi32, #tpu.memory_space<vmem>>, %arg8: memref<80xi32, #tpu.memory_space<vmem>>, %arg9: memref<80x128xf32, #tpu.memory_space<vmem>>, %arg10: memref<80x128xf32, #tpu.memory_space<vmem>>, %arg11: memref<80x128xf32, #tpu.memory_space<vmem>>, %arg12: memref<32x128xf32, #tpu.memory_space<vmem>>, %arg13: memref<10240x128xf32, #tpu.memory_space<vmem_shared>>, %arg14: memref<!tpu.dma_semaphore, #tpu.memory_space<semaphore_mem>>, %arg15: memref<!tpu.dma_semaphore, #tpu.memory_space<semaphore_mem>>, %arg16: memref<!tpu.dma_semaphore, #tpu.memory_space<semaphore_mem>>) attributes {dimension_semantics = [#tpu.dimension_semantics<core_parallel>, #tpu.dimension_semantics<subcore_parallel>], iteration_bounds = array<i64: 2, 16>, scalar_prefetch = 0 : i64, scratch_operands = 10 : i64, tpu.core_type = #tpu.core_type<sc_vector_subcore>, window_params = [{transform_indices = #map}, {transform_indices = #map}, {transform_indices = #map1}, {transform_indices = #map1}, {transform_indices = #map2}]} {
    %mul3A = arith.constant 2 : i32
    %mul3A_0 = arith.muli %arg1, %mul3A : i32
    %add3A = arith.addi %mul3A_0, %arg0 : i32
    %mul3A_1 = arith.constant 10000 : i32
    %mul3A_2 = arith.muli %add3A, %mul3A_1 : i32
    %scan3A = arith.constant 0 : i32
    %scan3A_3 = arith.constant 0 : i32
    %scan3A_4 = arith.constant 32 : i32
    %scan3A_5 = arith.addi %scan3A_3, %scan3A_4 : i32
    %scan3A_6 = arith.constant 1 : i32
    %scan3A_7 = scf.for %scan3A_26 = %scan3A_3 to %scan3A_5 step %scan3A_6 iter_args(%scan3A_27 = %scan3A) -> (i32)  : i32 {
      %broadcast_in_dim3A = arith.constant 0.000000e+00 : f32
      %broadcast_in_dim3A_28 = vector.broadcast %broadcast_in_dim3A : f32 to vector<16xf32>
      %swap3A = arith.index_cast %scan3A_26 : i32 to index
      %swap3A_29 = arith.constant 0 : index
      %swap3A_30 = tpu.vector_load %arg12[%swap3A, %swap3A_29] {strides = array<i32>} : memref<32x128xf32, #tpu.memory_space<vmem>>, vector<1x16xf32>,
      %swap3A_31 = vector.shape_cast %swap3A_30 : vector<1x16xf32> to vector<16xf32>
      %swap3A_32 = vector.shape_cast %broadcast_in_dim3A_28 : vector<16xf32> to vector<1x16xf32>
      tpu.vector_store %arg12[%swap3A, %swap3A_29], %swap3A_32 {strides = array<i32>} : memref<32x128xf32, #tpu.memory_space<vmem>>, vector<1x16xf32>,
      %broadcast_in_dim3A_33 = arith.constant 0.000000e+00 : f32
      %broadcast_in_dim3A_34 = vector.broadcast %broadcast_in_dim3A_33 : f32 to vector<16xf32>
      %swap3A_35 = arith.index_cast %scan3A_26 : i32 to index
      %swap3A_36 = arith.constant 16 : index
      %swap3A_37 = tpu.vector_load %arg12[%swap3A_35, %swap3A_36] {strides = array<i32>} : memref<32x128xf32, #tpu.memory_space<vmem>>, vector<1x16xf32>,
      %swap3A_38 = vector.shape_cast %swap3A_37 : vector<1x16xf32> to vector<16xf32>
      %swap3A_39 = vector.shape_cast %broadcast_in_dim3A_34 : vector<16xf32> to vector<1x16xf32>
      tpu.vector_store %arg12[%swap3A_35, %swap3A_36], %swap3A_39 {strides = array<i32>} : memref<32x128xf32, #tpu.memory_space<vmem>>, vector<1x16xf32>,
      %broadcast_in_dim3A_40 = arith.constant 0.000000e+00 : f32
      %broadcast_in_dim3A_41 = vector.broadcast %broadcast_in_dim3A_40 : f32 to vector<16xf32>
      %swap3A_42 = arith.index_cast %scan3A_26 : i32 to index
      %swap3A_43 = arith.constant 32 : index
      %swap3A_44 = tpu.vector_load %arg12[%swap3A_42, %swap3A_43] {strides = array<i32>} : memref<32x128xf32, #tpu.memory_space<vmem>>, vector<1x16xf32>,
      %swap3A_45 = vector.shape_cast %swap3A_44 : vector<1x16xf32> to vector<16xf32>
      %swap3A_46 = vector.shape_cast %broadcast_in_dim3A_41 : vector<16xf32> to vector<1x16xf32>
      tpu.vector_store %arg12[%swap3A_42, %swap3A_43], %swap3A_46 {strides = array<i32>} : memref<32x128xf32, #tpu.memory_space<vmem>>, vector<1x16xf32>,
      %broadcast_in_dim3A_47 = arith.constant 0.000000e+00 : f32
      %broadcast_in_dim3A_48 = vector.broadcast %broadcast_in_dim3A_47 : f32 to vector<16xf32>
      %swap3A_49 = arith.index_cast %scan3A_26 : i32 to index
      %swap3A_50 = arith.constant 48 : index
      %swap3A_51 = tpu.vector_load %arg12[%swap3A_49, %swap3A_50] {strides = array<i32>} : memref<32x128xf32, #tpu.memory_space<vmem>>, vector<1x16xf32>,
      %swap3A_52 = vector.shape_cast %swap3A_51 : vector<1x16xf32> to vector<16xf32>
      %swap3A_53 = vector.shape_cast %broadcast_in_dim3A_48 : vector<16xf32> to vector<1x16xf32>
      tpu.vector_store %arg12[%swap3A_49, %swap3A_50], %swap3A_53 {strides = array<i32>} : memref<32x128xf32, #tpu.memory_space<vmem>>, vector<1x16xf32>,
      %broadcast_in_dim3A_54 = arith.constant 0.000000e+00 : f32
      %broadcast_in_dim3A_55 = vector.broadcast %broadcast_in_dim3A_54 : f32 to vector<16xf32>
      %swap3A_56 = arith.index_cast %scan3A_26 : i32 to index
      %swap3A_57 = arith.constant 64 : index
      %swap3A_58 = tpu.vector_load %arg12[%swap3A_56, %swap3A_57] {strides = array<i32>} : memref<32x128xf32, #tpu.memory_space<vmem>>, vector<1x16xf32>,
      %swap3A_59 = vector.shape_cast %swap3A_58 : vector<1x16xf32> to vector<16xf32>
      %swap3A_60 = vector.shape_cast %broadcast_in_dim3A_55 : vector<16xf32> to vector<1x16xf32>
      tpu.vector_store %arg12[%swap3A_56, %swap3A_57], %swap3A_60 {strides = array<i32>} : memref<32x128xf32, #tpu.memory_space<vmem>>, vector<1x16xf32>,
      %broadcast_in_dim3A_61 = arith.constant 0.000000e+00 : f32
      %broadcast_in_dim3A_62 = vector.broadcast %broadcast_in_dim3A_61 : f32 to vector<16xf32>
      %swap3A_63 = arith.index_cast %scan3A_26 : i32 to index
      %swap3A_64 = arith.constant 80 : index
      %swap3A_65 = tpu.vector_load %arg12[%swap3A_63, %swap3A_64] {strides = array<i32>} : memref<32x128xf32, #tpu.memory_space<vmem>>, vector<1x16xf32>,
      %swap3A_66 = vector.shape_cast %swap3A_65 : vector<1x16xf32> to vector<16xf32>
      %swap3A_67 = vector.shape_cast %broadcast_in_dim3A_62 : vector<16xf32> to vector<1x16xf32>
      tpu.vector_store %arg12[%swap3A_63, %swap3A_64], %swap3A_67 {strides = array<i32>} : memref<32x128xf32, #tpu.memory_space<vmem>>, vector<1x16xf32>,
      %broadcast_in_dim3A_68 = arith.constant 0.000000e+00 : f32
      %broadcast_in_dim3A_69 = vector.broadcast %broadcast_in_dim3A_68 : f32 to vector<16xf32>
      %swap3A_70 = arith.index_cast %scan3A_26 : i32 to index
      %swap3A_71 = arith.constant 96 : index
      %swap3A_72 = tpu.vector_load %arg12[%swap3A_70, %swap3A_71] {strides = array<i32>} : memref<32x128xf32, #tpu.memory_space<vmem>>, vector<1x16xf32>,
      %swap3A_73 = vector.shape_cast %swap3A_72 : vector<1x16xf32> to vector<16xf32>
      %swap3A_74 = vector.shape_cast %broadcast_in_dim3A_69 : vector<16xf32> to vector<1x16xf32>
      tpu.vector_store %arg12[%swap3A_70, %swap3A_71], %swap3A_74 {strides = array<i32>} : memref<32x128xf32, #tpu.memory_space<vmem>>, vector<1x16xf32>,
      %broadcast_in_dim3A_75 = arith.constant 0.000000e+00 : f32
      %broadcast_in_dim3A_76 = vector.broadcast %broadcast_in_dim3A_75 : f32 to vector<16xf32>
      %swap3A_77 = arith.index_cast %scan3A_26 : i32 to index
      %swap3A_78 = arith.constant 112 : index
      %swap3A_79 = tpu.vector_load %arg12[%swap3A_77, %swap3A_78] {strides = array<i32>} : memref<32x128xf32, #tpu.memory_space<vmem>>, vector<1x16xf32>,
      %swap3A_80 = vector.shape_cast %swap3A_79 : vector<1x16xf32> to vector<16xf32>
      %swap3A_81 = vector.shape_cast %broadcast_in_dim3A_76 : vector<16xf32> to vector<1x16xf32>
      tpu.vector_store %arg12[%swap3A_77, %swap3A_78], %swap3A_81 {strides = array<i32>} : memref<32x128xf32, #tpu.memory_space<vmem>>, vector<1x16xf32>,
      %scan3A_82 = arith.constant 0 : i32
      scf.yield %scan3A_82 : i32
    }
    %scan3A_8 = arith.constant 32 : i32
    %scan3A_9 = arith.constant 0 : i32
    %scan3A_10 = arith.constant 0 : i32
    %scan3A_11 = arith.constant 20 : i32
    %scan3A_12 = arith.addi %scan3A_10, %scan3A_11 : i32
    %scan3A_13 = arith.constant 1 : i32
    %scan3A_14 = scf.for %scan3A_26 = %scan3A_10 to %scan3A_12 step %scan3A_13 iter_args(%scan3A_27 = %scan3A_9) -> (i32)  : i32 {
      %mul3A_28 = arith.constant 640 : i32
      %mul3A_29 = arith.muli %arg1, %mul3A_28 : i32
      %mul3A_30 = arith.constant 32 : i32
      %mul3A_31 = arith.muli %scan3A_26, %mul3A_30 : i32
      %add3A_32 = arith.addi %mul3A_29, %mul3A_31 : i32
      "tpu.region"() ({
        %run_scoped3A = tpu.sem_alloc : memref<!tpu.dma_semaphore, #tpu.memory_space<semaphore_mem>>
        %dma_start3A = arith.constant 0 : i32
        %dma_start3A_34 = tpu.memref_slice %arg13[%add3A_32, %dma_start3A] : memref<10240x128xf32, #tpu.memory_space<vmem_shared>> -> memref<32x128xf32, #tpu.memory_space<vmem_shared>>
        %dma_start3A_35 = arith.constant 0 : i32
        %dma_start3A_36 = tpu.memref_slice %arg13[%add3A_32, %dma_start3A_35] : memref<10240x128xf32, #tpu.memory_space<vmem_shared>> -> memref<32x128xf32, #tpu.memory_space<vmem_shared>>
        tpu.enqueue_dma source(%arg12 : memref<32x128xf32, #tpu.memory_space<vmem>>) target(%dma_start3A_36 : memref<32x128xf32, #tpu.memory_space<vmem_shared>>) target_semaphore(%run_scoped3A : memref<!tpu.dma_semaphore, #tpu.memory_space<semaphore_mem>>)
        %dma_wait3A = arith.constant 0 : i32
        %dma_wait3A_37 = tpu.memref_slice %arg13[%add3A_32, %dma_wait3A] : memref<10240x128xf32, #tpu.memory_space<vmem_shared>> -> memref<32x128xf32, #tpu.memory_space<vmem_shared>>
        %dma_wait3A_38 = arith.constant 0 : i32
        %dma_wait3A_39 = tpu.memref_slice %arg13[%add3A_32, %dma_wait3A_38] : memref<10240x128xf32, #tpu.memory_space<vmem_shared>> -> memref<32x128xf32, #tpu.memory_space<vmem_shared>>
        tpu.wait_dma2 semaphore(%run_scoped3A : memref<!tpu.dma_semaphore, #tpu.memory_space<semaphore_mem>>) src(%arg12 : memref<32x128xf32, #tpu.memory_space<vmem>>) dst(%dma_wait3A_39 : memref<32x128xf32, #tpu.memory_space<vmem_shared>>)
        tpu.yield
      }) : () -> ()
      %scan3A_33 = arith.constant 0 : i32
      scf.yield %scan3A_33 : i32
    }
    %scan3A_15 = arith.constant 20 : i32
    %barrier3A = arith.constant 0 : index
    tpu.barrier barrier_id(%barrier3A)
    %scan3A_16 = arith.constant 0 : i32
    %scan3A_17 = arith.constant 0 : i32
    %scan3A_18 = arith.constant 125 : i32
    %scan3A_19 = arith.addi %scan3A_17, %scan3A_18 : i32
    %scan3A_20 = arith.constant 1 : i32
    %scan3A_21 = scf.for %scan3A_26 = %scan3A_17 to %scan3A_19 step %scan3A_20 iter_args(%scan3A_27 = %scan3A_16) -> (i32)  : i32 {
      %mul3A_28 = arith.constant 80 : i32
      %mul3A_29 = arith.muli %scan3A_26, %mul3A_28 : i32
      %add3A_30 = arith.addi %mul3A_2, %mul3A_29 : i32
      "tpu.region"() ({
        %run_scoped3A = tpu.sem_alloc : memref<!tpu.dma_semaphore, #tpu.memory_space<semaphore_mem>>
        %dma_start3A_57 = tpu.memref_slice %arg4[%add3A_30] : memref<320000xi32, #tpu.memory_space<hbm>> -> memref<80xi32, #tpu.memory_space<hbm>>
        %dma_start3A_58 = tpu.memref_slice %arg4[%add3A_30] : memref<320000xi32, #tpu.memory_space<hbm>> -> memref<80xi32, #tpu.memory_space<hbm>>
        tpu.enqueue_dma source(%dma_start3A_58 : memref<80xi32, #tpu.memory_space<hbm>>) target(%arg7 : memref<80xi32, #tpu.memory_space<vmem>>) target_semaphore(%run_scoped3A : memref<!tpu.dma_semaphore, #tpu.memory_space<semaphore_mem>>)
        %dma_wait3A_59 = tpu.memref_slice %arg4[%add3A_30] : memref<320000xi32, #tpu.memory_space<hbm>> -> memref<80xi32, #tpu.memory_space<hbm>>
        %dma_wait3A_60 = tpu.memref_slice %arg4[%add3A_30] : memref<320000xi32, #tpu.memory_space<hbm>> -> memref<80xi32, #tpu.memory_space<hbm>>
        tpu.wait_dma2 semaphore(%run_scoped3A : memref<!tpu.dma_semaphore, #tpu.memory_space<semaphore_mem>>) src(%dma_wait3A_60 : memref<80xi32, #tpu.memory_space<hbm>>) dst(%arg7 : memref<80xi32, #tpu.memory_space<vmem>>)
        tpu.yield
      }) : () -> ()
      "tpu.region"() ({
        %run_scoped3A = tpu.sem_alloc : memref<!tpu.dma_semaphore, #tpu.memory_space<semaphore_mem>>
        %dma_start3A_57 = tpu.memref_slice %arg5[%add3A_30] : memref<320000xi32, #tpu.memory_space<hbm>> -> memref<80xi32, #tpu.memory_space<hbm>>
        %dma_start3A_58 = tpu.memref_slice %arg5[%add3A_30] : memref<320000xi32, #tpu.memory_space<hbm>> -> memref<80xi32, #tpu.memory_space<hbm>>
        tpu.enqueue_dma source(%dma_start3A_58 : memref<80xi32, #tpu.memory_space<hbm>>) target(%arg8 : memref<80xi32, #tpu.memory_space<vmem>>) target_semaphore(%run_scoped3A : memref<!tpu.dma_semaphore, #tpu.memory_space<semaphore_mem>>)
        %dma_wait3A_59 = tpu.memref_slice %arg5[%add3A_30] : memref<320000xi32, #tpu.memory_space<hbm>> -> memref<80xi32, #tpu.memory_space<hbm>>
        %dma_wait3A_60 = tpu.memref_slice %arg5[%add3A_30] : memref<320000xi32, #tpu.memory_space<hbm>> -> memref<80xi32, #tpu.memory_space<hbm>>
        tpu.wait_dma2 semaphore(%run_scoped3A : memref<!tpu.dma_semaphore, #tpu.memory_space<semaphore_mem>>) src(%dma_wait3A_60 : memref<80xi32, #tpu.memory_space<hbm>>) dst(%arg8 : memref<80xi32, #tpu.memory_space<vmem>>)
        tpu.yield
      }) : () -> ()
      %dma_start3A = arith.constant 0 : i32
      %dma_start3A_31 = arith.constant 0 : i32
      %dma_start3A_32 = tpu.memref_slice %arg2[%dma_start3A, %dma_start3A_31] : memref<10000x128xf32, #tpu.memory_space<hbm>> -> memref<10000x128xf32, #tpu.memory_space<hbm>>
      tpu.enqueue_indirect_dma source(%dma_start3A_32 : memref<10000x128xf32, #tpu.memory_space<hbm>>) target(%arg9 : memref<80x128xf32, #tpu.memory_space<vmem>>) offsets(%arg7 : memref<80xi32, #tpu.memory_space<vmem>>) semaphore(%arg14 : memref<!tpu.dma_semaphore, #tpu.memory_space<semaphore_mem>>)
      %dma_start3A_33 = arith.constant 0 : i32
      %dma_start3A_34 = arith.constant 0 : i32
      %dma_start3A_35 = tpu.memref_slice %arg2[%dma_start3A_33, %dma_start3A_34] : memref<10000x128xf32, #tpu.memory_space<hbm>> -> memref<10000x128xf32, #tpu.memory_space<hbm>>
      tpu.enqueue_indirect_dma source(%dma_start3A_35 : memref<10000x128xf32, #tpu.memory_space<hbm>>) target(%arg10 : memref<80x128xf32, #tpu.memory_space<vmem>>) offsets(%arg8 : memref<80xi32, #tpu.memory_space<vmem>>) semaphore(%arg15 : memref<!tpu.dma_semaphore, #tpu.memory_space<semaphore_mem>>)
      %dma_start3A_36 = arith.constant 0 : i32
      %dma_start3A_37 = tpu.memref_slice %arg3[%add3A_30, %dma_start3A_36] : memref<320000x128xf32, #tpu.memory_space<hbm>> -> memref<80x128xf32, #tpu.memory_space<hbm>>
      %dma_start3A_38 = arith.constant 0 : i32
      %dma_start3A_39 = tpu.memref_slice %arg3[%add3A_30, %dma_start3A_38] : memref<320000x128xf32, #tpu.memory_space<hbm>> -> memref<80x128xf32, #tpu.memory_space<hbm>>
      tpu.enqueue_dma source(%dma_start3A_39 : memref<80x128xf32, #tpu.memory_space<hbm>>) target(%arg11 : memref<80x128xf32, #tpu.memory_space<vmem>>) target_semaphore(%arg16 : memref<!tpu.dma_semaphore, #tpu.memory_space<semaphore_mem>>)
      %dma_wait3A = arith.constant 0 : i32
      %dma_wait3A_40 = arith.constant 0 : i32
      %dma_wait3A_41 = tpu.memref_slice %arg2[%dma_wait3A, %dma_wait3A_40] : memref<10000x128xf32, #tpu.memory_space<hbm>> -> memref<10000x128xf32, #tpu.memory_space<hbm>>
      tpu.wait_indirect_dma semaphore(%arg14 : memref<!tpu.dma_semaphore, #tpu.memory_space<semaphore_mem>>) src(%dma_wait3A_41 : memref<10000x128xf32, #tpu.memory_space<hbm>>) dst(%arg9 : memref<80x128xf32, #tpu.memory_space<vmem>>)
      %dma_wait3A_42 = arith.constant 0 : i32
      %dma_wait3A_43 = arith.constant 0 : i32
      %dma_wait3A_44 = tpu.memref_slice %arg2[%dma_wait3A_42, %dma_wait3A_43] : memref<10000x128xf32, #tpu.memory_space<hbm>> -> memref<10000x128xf32, #tpu.memory_space<hbm>>
      tpu.wait_indirect_dma semaphore(%arg15 : memref<!tpu.dma_semaphore, #tpu.memory_space<semaphore_mem>>) src(%dma_wait3A_44 : memref<10000x128xf32, #tpu.memory_space<hbm>>) dst(%arg10 : memref<80x128xf32, #tpu.memory_space<vmem>>)
      %dma_wait3A_45 = arith.constant 0 : i32
      %dma_wait3A_46 = tpu.memref_slice %arg3[%add3A_30, %dma_wait3A_45] : memref<320000x128xf32, #tpu.memory_space<hbm>> -> memref<80x128xf32, #tpu.memory_space<hbm>>
      %dma_wait3A_47 = arith.constant 0 : i32
      %dma_wait3A_48 = tpu.memref_slice %arg3[%add3A_30, %dma_wait3A_47] : memref<320000x128xf32, #tpu.memory_space<hbm>> -> memref<80x128xf32, #tpu.memory_space<hbm>>
      tpu.wait_dma2 semaphore(%arg16 : memref<!tpu.dma_semaphore, #tpu.memory_space<semaphore_mem>>) src(%dma_wait3A_48 : memref<80x128xf32, #tpu.memory_space<hbm>>) dst(%arg11 : memref<80x128xf32, #tpu.memory_space<vmem>>)
      %scan3A_49 = arith.constant 0 : i32
      %scan3A_50 = arith.constant 0 : i32
      %scan3A_51 = arith.constant 80 : i32
      %scan3A_52 = arith.addi %scan3A_50, %scan3A_51 : i32
      %scan3A_53 = arith.constant 1 : i32
      %scan3A_54 = scf.for %scan3A_57 = %scan3A_50 to %scan3A_52 step %scan3A_53 iter_args(%scan3A_58 = %scan3A_49) -> (i32)  : i32 {
        %get3A = arith.index_cast %scan3A_57 : i32 to index
        %get3A_59 = arith.constant 0 : index
        %get3A_60 = tpu.vector_load %arg9[%get3A, %get3A_59] {strides = array<i32>} : memref<80x128xf32, #tpu.memory_space<vmem>>, vector<1x16xf32>,
        %get3A_61 = vector.shape_cast %get3A_60 : vector<1x16xf32> to vector<16xf32>
        %get3A_62 = arith.index_cast %scan3A_57 : i32 to index
        %get3A_63 = arith.constant 64 : index
        %get3A_64 = tpu.vector_load %arg10[%get3A_62, %get3A_63] {strides = array<i32>} : memref<80x128xf32, #tpu.memory_space<vmem>>, vector<1x16xf32>,
        %get3A_65 = vector.shape_cast %get3A_64 : vector<1x16xf32> to vector<16xf32>
        %add3A_66 = arith.addf %get3A_61, %get3A_65 : vector<16xf32>
        %get3A_67 = arith.index_cast %scan3A_57 : i32 to index
        %get3A_68 = arith.constant 0 : index
        %get3A_69 = tpu.vector_load %arg11[%get3A_67, %get3A_68] {strides = array<i32>} : memref<80x128xf32, #tpu.memory_space<vmem>>, vector<1x16xf32>,
        %get3A_70 = vector.shape_cast %get3A_69 : vector<1x16xf32> to vector<16xf32>
        %add3A_71 = arith.addf %add3A_66, %get3A_70 : vector<16xf32>
        %neg3A = arith.constant 0.000000e+00 : f32
        %neg3A_72 = vector.broadcast %neg3A : f32 to vector<16xf32>
        %neg3A_73 = arith.subf %neg3A_72, %add3A_71 : vector<16xf32>
        %exp3A = math.exp %neg3A_73 : vector<16xf32>
        %add3A_74 = arith.constant 1.000000e+00 : f32
        %add3A_75 = vector.broadcast %add3A_74 : f32 to vector<16xf32>
        %add3A_76 = arith.addf %add3A_75, %exp3A : vector<16xf32>
        %div3A = arith.divf %add3A_71, %add3A_76 : vector<16xf32>
        %swap3A = arith.index_cast %scan3A_57 : i32 to index
        %swap3A_77 = arith.constant 0 : index
        %swap3A_78 = tpu.vector_load %arg11[%swap3A, %swap3A_77] {strides = array<i32>} : memref<80x128xf32, #tpu.memory_space<vmem>>, vector<1x16xf32>,
        %swap3A_79 = vector.shape_cast %swap3A_78 : vector<1x16xf32> to vector<16xf32>
        %swap3A_80 = vector.shape_cast %div3A : vector<16xf32> to vector<1x16xf32>
        tpu.vector_store %arg11[%swap3A, %swap3A_77], %swap3A_80 {strides = array<i32>} : memref<80x128xf32, #tpu.memory_space<vmem>>, vector<1x16xf32>,
        %get3A_81 = arith.index_cast %scan3A_57 : i32 to index
        %get3A_82 = arith.constant 16 : index
        %get3A_83 = tpu.vector_load %arg9[%get3A_81, %get3A_82] {strides = array<i32>} : memref<80x128xf32, #tpu.memory_space<vmem>>, vector<1x16xf32>,
        %get3A_84 = vector.shape_cast %get3A_83 : vector<1x16xf32> to vector<16xf32>
        %get3A_85 = arith.index_cast %scan3A_57 : i32 to index
        %get3A_86 = arith.constant 80 : index
        %get3A_87 = tpu.vector_load %arg10[%get3A_85, %get3A_86] {strides = array<i32>} : memref<80x128xf32, #tpu.memory_space<vmem>>, vector<1x16xf32>,
        %get3A_88 = vector.shape_cast %get3A_87 : vector<1x16xf32> to vector<16xf32>
        %add3A_89 = arith.addf %get3A_84, %get3A_88 : vector<16xf32>
        %get3A_90 = arith.index_cast %scan3A_57 : i32 to index
        %get3A_91 = arith.constant 16 : index
        %get3A_92 = tpu.vector_load %arg11[%get3A_90, %get3A_91] {strides = array<i32>} : memref<80x128xf32, #tpu.memory_space<vmem>>, vector<1x16xf32>,
        %get3A_93 = vector.shape_cast %get3A_92 : vector<1x16xf32> to vector<16xf32>
        %add3A_94 = arith.addf %add3A_89, %get3A_93 : vector<16xf32>
        %neg3A_95 = arith.constant 0.000000e+00 : f32
        %neg3A_96 = vector.broadcast %neg3A_95 : f32 to vector<16xf32>
        %neg3A_97 = arith.subf %neg3A_96, %add3A_94 : vector<16xf32>
        %exp3A_98 = math.exp %neg3A_97 : vector<16xf32>
        %add3A_99 = arith.constant 1.000000e+00 : f32
        %add3A_100 = vector.broadcast %add3A_99 : f32 to vector<16xf32>
        %add3A_101 = arith.addf %add3A_100, %exp3A_98 : vector<16xf32>
        %div3A_102 = arith.divf %add3A_94, %add3A_101 : vector<16xf32>
        %swap3A_103 = arith.index_cast %scan3A_57 : i32 to index
        %swap3A_104 = arith.constant 16 : index
        %swap3A_105 = tpu.vector_load %arg11[%swap3A_103, %swap3A_104] {strides = array<i32>} : memref<80x128xf32, #tpu.memory_space<vmem>>, vector<1x16xf32>,
        %swap3A_106 = vector.shape_cast %swap3A_105 : vector<1x16xf32> to vector<16xf32>
        %swap3A_107 = vector.shape_cast %div3A_102 : vector<16xf32> to vector<1x16xf32>
        tpu.vector_store %arg11[%swap3A_103, %swap3A_104], %swap3A_107 {strides = array<i32>} : memref<80x128xf32, #tpu.memory_space<vmem>>, vector<1x16xf32>,
        %get3A_108 = arith.index_cast %scan3A_57 : i32 to index
        %get3A_109 = arith.constant 32 : index
        %get3A_110 = tpu.vector_load %arg9[%get3A_108, %get3A_109] {strides = array<i32>} : memref<80x128xf32, #tpu.memory_space<vmem>>, vector<1x16xf32>,
        %get3A_111 = vector.shape_cast %get3A_110 : vector<1x16xf32> to vector<16xf32>
        %get3A_112 = arith.index_cast %scan3A_57 : i32 to index
        %get3A_113 = arith.constant 96 : index
        %get3A_114 = tpu.vector_load %arg10[%get3A_112, %get3A_113] {strides = array<i32>} : memref<80x128xf32, #tpu.memory_space<vmem>>, vector<1x16xf32>,
        %get3A_115 = vector.shape_cast %get3A_114 : vector<1x16xf32> to vector<16xf32>
        %add3A_116 = arith.addf %get3A_111, %get3A_115 : vector<16xf32>
        %get3A_117 = arith.index_cast %scan3A_57 : i32 to index
        %get3A_118 = arith.constant 32 : index
        %get3A_119 = tpu.vector_load %arg11[%get3A_117, %get3A_118] {strides = array<i32>} : memref<80x128xf32, #tpu.memory_space<vmem>>, vector<1x16xf32>,
        %get3A_120 = vector.shape_cast %get3A_119 : vector<1x16xf32> to vector<16xf32>
        %add3A_121 = arith.addf %add3A_116, %get3A_120 : vector<16xf32>
        %neg3A_122 = arith.constant 0.000000e+00 : f32
        %neg3A_123 = vector.broadcast %neg3A_122 : f32 to vector<16xf32>
        %neg3A_124 = arith.subf %neg3A_123, %add3A_121 : vector<16xf32>
        %exp3A_125 = math.exp %neg3A_124 : vector<16xf32>
        %add3A_126 = arith.constant 1.000000e+00 : f32
        %add3A_127 = vector.broadcast %add3A_126 : f32 to vector<16xf32>
        %add3A_128 = arith.addf %add3A_127, %exp3A_125 : vector<16xf32>
        %div3A_129 = arith.divf %add3A_121, %add3A_128 : vector<16xf32>
        %swap3A_130 = arith.index_cast %scan3A_57 : i32 to index
        %swap3A_131 = arith.constant 32 : index
        %swap3A_132 = tpu.vector_load %arg11[%swap3A_130, %swap3A_131] {strides = array<i32>} : memref<80x128xf32, #tpu.memory_space<vmem>>, vector<1x16xf32>,
        %swap3A_133 = vector.shape_cast %swap3A_132 : vector<1x16xf32> to vector<16xf32>
        %swap3A_134 = vector.shape_cast %div3A_129 : vector<16xf32> to vector<1x16xf32>
        tpu.vector_store %arg11[%swap3A_130, %swap3A_131], %swap3A_134 {strides = array<i32>} : memref<80x128xf32, #tpu.memory_space<vmem>>, vector<1x16xf32>,
        %get3A_135 = arith.index_cast %scan3A_57 : i32 to index
        %get3A_136 = arith.constant 48 : index
        %get3A_137 = tpu.vector_load %arg9[%get3A_135, %get3A_136] {strides = array<i32>} : memref<80x128xf32, #tpu.memory_space<vmem>>, vector<1x16xf32>,
        %get3A_138 = vector.shape_cast %get3A_137 : vector<1x16xf32> to vector<16xf32>
        %get3A_139 = arith.index_cast %scan3A_57 : i32 to index
        %get3A_140 = arith.constant 112 : index
        %get3A_141 = tpu.vector_load %arg10[%get3A_139, %get3A_140] {strides = array<i32>} : memref<80x128xf32, #tpu.memory_space<vmem>>, vector<1x16xf32>,
        %get3A_142 = vector.shape_cast %get3A_141 : vector<1x16xf32> to vector<16xf32>
        %add3A_143 = arith.addf %get3A_138, %get3A_142 : vector<16xf32>
        %get3A_144 = arith.index_cast %scan3A_57 : i32 to index
        %get3A_145 = arith.constant 48 : index
        %get3A_146 = tpu.vector_load %arg11[%get3A_144, %get3A_145] {strides = array<i32>} : memref<80x128xf32, #tpu.memory_space<vmem>>, vector<1x16xf32>,
        %get3A_147 = vector.shape_cast %get3A_146 : vector<1x16xf32> to vector<16xf32>
        %add3A_148 = arith.addf %add3A_143, %get3A_147 : vector<16xf32>
        %neg3A_149 = arith.constant 0.000000e+00 : f32
        %neg3A_150 = vector.broadcast %neg3A_149 : f32 to vector<16xf32>
        %neg3A_151 = arith.subf %neg3A_150, %add3A_148 : vector<16xf32>
        %exp3A_152 = math.exp %neg3A_151 : vector<16xf32>
        %add3A_153 = arith.constant 1.000000e+00 : f32
        %add3A_154 = vector.broadcast %add3A_153 : f32 to vector<16xf32>
        %add3A_155 = arith.addf %add3A_154, %exp3A_152 : vector<16xf32>
        %div3A_156 = arith.divf %add3A_148, %add3A_155 : vector<16xf32>
        %swap3A_157 = arith.index_cast %scan3A_57 : i32 to index
        %swap3A_158 = arith.constant 48 : index
        %swap3A_159 = tpu.vector_load %arg11[%swap3A_157, %swap3A_158] {strides = array<i32>} : memref<80x128xf32, #tpu.memory_space<vmem>>, vector<1x16xf32>,
        %swap3A_160 = vector.shape_cast %swap3A_159 : vector<1x16xf32> to vector<16xf32>
        %swap3A_161 = vector.shape_cast %div3A_156 : vector<16xf32> to vector<1x16xf32>
        tpu.vector_store %arg11[%swap3A_157, %swap3A_158], %swap3A_161 {strides = array<i32>} : memref<80x128xf32, #tpu.memory_space<vmem>>, vector<1x16xf32>,
        %scan3A_162 = arith.constant 0 : i32
        scf.yield %scan3A_162 : i32
      }
      %scan3A_55 = arith.constant 80 : i32
      "tpu.region"() ({
        %run_scoped3A = tpu.sem_alloc : memref<!tpu.dma_semaphore, #tpu.memory_space<semaphore_mem>>
        %dma_start3A_57 = arith.constant 0 : i32
        %dma_start3A_58 = arith.constant 0 : i32
        %dma_start3A_59 = tpu.memref_slice %arg13[%dma_start3A_57, %dma_start3A_58] : memref<10240x128xf32, #tpu.memory_space<vmem_shared>> -> memref<10240x128xf32, #tpu.memory_space<vmem_shared>>
        tpu.enqueue_indirect_dma source(%arg11 : memref<80x128xf32, #tpu.memory_space<vmem>>) target(%dma_start3A_59 : memref<10240x128xf32, #tpu.memory_space<vmem_shared>>) offsets(%arg8 : memref<80xi32, #tpu.memory_space<vmem>>) semaphore(%run_scoped3A : memref<!tpu.dma_semaphore, #tpu.memory_space<semaphore_mem>>) {add = true}
        %dma_wait3A_60 = arith.constant 0 : i32
        %dma_wait3A_61 = arith.constant 0 : i32
        %dma_wait3A_62 = tpu.memref_slice %arg13[%dma_wait3A_60, %dma_wait3A_61] : memref<10240x128xf32, #tpu.memory_space<vmem_shared>> -> memref<10240x128xf32, #tpu.memory_space<vmem_shared>>
        tpu.wait_indirect_dma semaphore(%run_scoped3A : memref<!tpu.dma_semaphore, #tpu.memory_space<semaphore_mem>>) src(%arg11 : memref<80x128xf32, #tpu.memory_space<vmem>>) dst(%dma_wait3A_62 : memref<10240x128xf32, #tpu.memory_space<vmem_shared>>)
        tpu.yield
      }) : () -> ()
      %scan3A_56 = arith.constant 0 : i32
      scf.yield %scan3A_56 : i32
    }
    %scan3A_22 = arith.constant 125 : i32
    %barrier3A_23 = arith.constant 0 : index
    tpu.barrier barrier_id(%barrier3A_23)
    %mul3A_24 = arith.constant 640 : i32
    %mul3A_25 = arith.muli %arg1, %mul3A_24 : i32
    "tpu.region"() ({
      %run_scoped3A = tpu.sem_alloc : memref<!tpu.dma_semaphore, #tpu.memory_space<semaphore_mem>>
      %dma_start3A = arith.constant 0 : i32
      %dma_start3A_26 = arith.constant 0 : i32
      %dma_start3A_27 = tpu.memref_slice %arg6[%arg0, %arg1, %dma_start3A, %dma_start3A_26] : memref<2x16x640x128xf32, #tpu.memory_space<hbm>> -> memref<1x1x640x128xf32, #tpu.memory_space<hbm>>
      %dma_start3A_28 = tpu.memref_squeeze %dma_start3A_27 : memref<1x1x640x128xf32, #tpu.memory_space<hbm>> -> memref<640x128xf32, #tpu.memory_space<hbm>>
      %dma_start3A_29 = arith.constant 0 : i32
      %dma_start3A_30 = tpu.memref_slice %arg13[%mul3A_25, %dma_start3A_29] : memref<10240x128xf32, #tpu.memory_space<vmem_shared>> -> memref<640x128xf32, #tpu.memory_space<vmem_shared>>
      tpu.enqueue_dma source(%dma_start3A_30 : memref<640x128xf32, #tpu.memory_space<vmem_shared>>) target(%dma_start3A_28 : memref<640x128xf32, #tpu.memory_space<hbm>>) target_semaphore(%run_scoped3A : memref<!tpu.dma_semaphore, #tpu.memory_space<semaphore_mem>>)
      %dma_wait3A = arith.constant 0 : i32
      %dma_wait3A_31 = arith.constant 0 : i32
      %dma_wait3A_32 = tpu.memref_slice %arg6[%arg0, %arg1, %dma_wait3A, %dma_wait3A_31] : memref<2x16x640x128xf32, #tpu.memory_space<hbm>> -> memref<1x1x640x128xf32, #tpu.memory_space<hbm>>
      %dma_wait3A_33 = tpu.memref_squeeze %dma_wait3A_32 : memref<1x1x640x128xf32, #tpu.memory_space<hbm>> -> memref<640x128xf32, #tpu.memory_space<hbm>>
      %dma_wait3A_34 = arith.constant 0 : i32
      %dma_wait3A_35 = tpu.memref_slice %arg13[%mul3A_25, %dma_wait3A_34] : memref<10240x128xf32, #tpu.memory_space<vmem_shared>> -> memref<640x128xf32, #tpu.memory_space<vmem_shared>>
      tpu.wait_dma2 semaphore(%run_scoped3A : memref<!tpu.dma_semaphore, #tpu.memory_space<semaphore_mem>>) src(%dma_wait3A_35 : memref<640x128xf32, #tpu.memory_space<vmem_shared>>) dst(%dma_wait3A_33 : memref<640x128xf32, #tpu.memory_space<hbm>>)
      tpu.yield
    }) : () -> ()
    return
  }
}

module attributes {stable_mosaic.version = 14 : i64} {
  func.func @_embed_proj_body(%arg0: i32, %arg1: memref<1000x128xf32, #tpu.memory_space<vmem>>, %arg2: memref<128x64xf32, #tpu.memory_space<vmem>>, %arg3: memref<1x64xf32, #tpu.memory_space<vmem>>, %arg4: memref<64x128xf32, #tpu.memory_space<vmem>>, %arg5: memref<1x128xf32, #tpu.memory_space<vmem>>, %arg6: memref<1000x64xf32, #tpu.memory_space<vmem>>, %arg7: memref<1000x128xf32, #tpu.memory_space<vmem>>) attributes {dimension_semantics = [#tpu.dimension_semantics<arbitrary>], iteration_bounds = array<i64: 10>, scalar_prefetch = 0 : i64, scratch_operands = 0 : i64, tpu.core_type = #tpu.core_type<tc>, window_params = [{transform_indices = @transform_0, window_bounds = array<i64: 1000, 128>}, {pipeline_mode = #tpu.pipeline_mode<synchronous>, transform_indices = @transform_1, window_bounds = array<i64: 128, 64>}, {pipeline_mode = #tpu.pipeline_mode<synchronous>, transform_indices = @transform_2, window_bounds = array<i64: 1, 64>}, {pipeline_mode = #tpu.pipeline_mode<synchronous>, transform_indices = @transform_3, window_bounds = array<i64: 64, 128>}, {pipeline_mode = #tpu.pipeline_mode<synchronous>, transform_indices = @transform_4, window_bounds = array<i64: 1, 128>}, {transform_indices = @transform_5, window_bounds = array<i64: 1000, 64>}, {transform_indices = @transform_6, window_bounds = array<i64: 1000, 128>}]} {
    %get3A = arith.constant 0 : index
    %get3A_0 = arith.constant 0 : index
    %get3A_1 = vector.load %arg1[%get3A, %get3A_0] : memref<1000x128xf32, #tpu.memory_space<vmem>>, vector<1000x128xf32>
    %get3A_2 = arith.constant 0 : index
    %get3A_3 = arith.constant 0 : index
    %get3A_4 = vector.load %arg2[%get3A_2, %get3A_3] : memref<128x64xf32, #tpu.memory_space<vmem>>, vector<128x64xf32>
    %dot_general3A = arith.constant dense<0.000000e+00> : vector<1000x64xf32>
    %dot_general3A_5 = tpu.matmul %get3A_1, %get3A_4, %dot_general3A {dimension_numbers = #tpu.dot_dimension_numbers<[1], [0], [0], [1], [0, 0, 1, 1], [], []>, transpose_lhs_hint = false} : vector<1000x128xf32>, vector<128x64xf32>, vector<1000x64xf32> -> vector<1000x64xf32>
    %get3A_6 = arith.constant 0 : index
    %get3A_7 = arith.constant 0 : index
    %get3A_8 = vector.load %arg3[%get3A_6, %get3A_7] : memref<1x64xf32, #tpu.memory_space<vmem>>, vector<1x64xf32>
    %add3A = vector.broadcast %get3A_8 : vector<1x64xf32> to vector<1000x64xf32>
    %add3A_9 = arith.addf %dot_general3A_5, %add3A : vector<1000x64xf32>
    %logistic3A = arith.negf %add3A_9 : vector<1000x64xf32>
    %logistic3A_10 = math.exp %logistic3A : vector<1000x64xf32>
    %logistic3A_11 = arith.constant 1.000000e+00 : f32
    %logistic3A_12 = vector.broadcast %logistic3A_11 : f32 to vector<1000x64xf32>
    %logistic3A_13 = arith.addf %logistic3A_12, %logistic3A_10 : vector<1000x64xf32>
    %logistic3A_14 = arith.divf %logistic3A_12, %logistic3A_13 : vector<1000x64xf32>
    %mul3A = arith.mulf %add3A_9, %logistic3A_14 : vector<1000x64xf32>
    %swap3A = arith.constant 0 : index
    %swap3A_15 = arith.constant 0 : index
    %swap3A_16 = vector.load %arg6[%swap3A, %swap3A_15] : memref<1000x64xf32, #tpu.memory_space<vmem>>, vector<1000x64xf32>
    tpu.vector_store %arg6[%swap3A, %swap3A_15], %mul3A {strides = array<i32>} : memref<1000x64xf32, #tpu.memory_space<vmem>>, vector<1000x64xf32>,
    %get3A_17 = arith.constant 0 : index
    %get3A_18 = arith.constant 0 : index
    %get3A_19 = vector.load %arg4[%get3A_17, %get3A_18] : memref<64x128xf32, #tpu.memory_space<vmem>>, vector<64x128xf32>
    %dot_general3A_20 = arith.constant dense<0.000000e+00> : vector<1000x128xf32>
    %dot_general3A_21 = tpu.matmul %mul3A, %get3A_19, %dot_general3A_20 {dimension_numbers = #tpu.dot_dimension_numbers<[1], [0], [0], [1], [0, 0, 1, 1], [], []>, transpose_lhs_hint = false} : vector<1000x64xf32>, vector<64x128xf32>, vector<1000x128xf32> -> vector<1000x128xf32>
    %get3A_22 = arith.constant 0 : index
    %get3A_23 = arith.constant 0 : index
    %get3A_24 = vector.load %arg5[%get3A_22, %get3A_23] : memref<1x128xf32, #tpu.memory_space<vmem>>, vector<1x128xf32>
    %add3A_25 = vector.broadcast %get3A_24 : vector<1x128xf32> to vector<1000x128xf32>
    %add3A_26 = arith.addf %dot_general3A_21, %add3A_25 : vector<1000x128xf32>
    %swap3A_27 = arith.constant 0 : index
    %swap3A_28 = arith.constant 0 : index
    %swap3A_29 = vector.load %arg7[%swap3A_27, %swap3A_28] : memref<1000x128xf32, #tpu.memory_space<vmem>>, vector<1000x128xf32>
    tpu.vector_store %arg7[%swap3A_27, %swap3A_28], %add3A_26 {strides = array<i32>} : memref<1000x128xf32, #tpu.memory_space<vmem>>, vector<1000x128xf32>,
    return
  }
  func.func @transform_0(%arg0: i32) -> (i32, i32) {
    %c0_i32 = arith.constant 0 : i32
    %c0_i32_0 = arith.constant 0 : i32
    return %arg0, %c0_i32 : i32, i32
  }
  func.func @transform_1(%arg0: i32) -> (i32, i32) {
    %c0_i32 = arith.constant 0 : i32
    %c0_i32_0 = arith.constant 0 : i32
    %c0_i32_1 = arith.constant 0 : i32
    return %c0_i32, %c0_i32_0 : i32, i32
  }
  func.func @transform_2(%arg0: i32) -> (i32, i32) {
    %c0_i32 = arith.constant 0 : i32
    %c0_i32_0 = arith.constant 0 : i32
    %c0_i32_1 = arith.constant 0 : i32
    return %c0_i32, %c0_i32_0 : i32, i32
  }
  func.func @transform_3(%arg0: i32) -> (i32, i32) {
    %c0_i32 = arith.constant 0 : i32
    %c0_i32_0 = arith.constant 0 : i32
    %c0_i32_1 = arith.constant 0 : i32
    return %c0_i32, %c0_i32_0 : i32, i32
  }
  func.func @transform_4(%arg0: i32) -> (i32, i32) {
    %c0_i32 = arith.constant 0 : i32
    %c0_i32_0 = arith.constant 0 : i32
    %c0_i32_1 = arith.constant 0 : i32
    return %c0_i32, %c0_i32_0 : i32, i32
  }
  func.func @transform_5(%arg0: i32) -> (i32, i32) {
    %c0_i32 = arith.constant 0 : i32
    %c0_i32_0 = arith.constant 0 : i32
    return %arg0, %c0_i32 : i32, i32
  }
  func.func @transform_6(%arg0: i32) -> (i32, i32) {
    %c0_i32 = arith.constant 0 : i32
    %c0_i32_0 = arith.constant 0 : i32
    return %arg0, %c0_i32 : i32, i32
  }
}

module attributes {stable_mosaic.version = 14 : i64} {
  func.func @_edge_body(%arg0: i32, %arg1: memref<4000x16xf32, #tpu.memory_space<vmem>>, %arg2: memref<16x64xf32, #tpu.memory_space<vmem>>, %arg3: memref<1x64xf32, #tpu.memory_space<vmem>>, %arg4: memref<64x128xf32, #tpu.memory_space<vmem>>, %arg5: memref<4000x128xf32, #tpu.memory_space<vmem>>) attributes {dimension_semantics = [#tpu.dimension_semantics<arbitrary>], iteration_bounds = array<i64: 80>, scalar_prefetch = 0 : i64, scratch_operands = 0 : i64, tpu.core_type = #tpu.core_type<tc>, window_params = [{transform_indices = @transform_0, window_bounds = array<i64: 4000, 16>}, {pipeline_mode = #tpu.pipeline_mode<synchronous>, transform_indices = @transform_1, window_bounds = array<i64: 16, 64>}, {pipeline_mode = #tpu.pipeline_mode<synchronous>, transform_indices = @transform_2, window_bounds = array<i64: 1, 64>}, {pipeline_mode = #tpu.pipeline_mode<synchronous>, transform_indices = @transform_3, window_bounds = array<i64: 64, 128>}, {transform_indices = @transform_4, window_bounds = array<i64: 4000, 128>}]} {
    %get3A = arith.constant 0 : index
    %get3A_0 = arith.constant 0 : index
    %get3A_1 = vector.load %arg1[%get3A, %get3A_0] : memref<4000x16xf32, #tpu.memory_space<vmem>>, vector<4000x16xf32>
    %get3A_2 = arith.constant 0 : index
    %get3A_3 = arith.constant 0 : index
    %get3A_4 = vector.load %arg2[%get3A_2, %get3A_3] : memref<16x64xf32, #tpu.memory_space<vmem>>, vector<16x64xf32>
    %dot_general3A = arith.constant dense<0.000000e+00> : vector<4000x64xf32>
    %dot_general3A_5 = tpu.matmul %get3A_1, %get3A_4, %dot_general3A {dimension_numbers = #tpu.dot_dimension_numbers<[1], [0], [0], [1], [0, 0, 1, 1], [], []>, transpose_lhs_hint = false} : vector<4000x16xf32>, vector<16x64xf32>, vector<4000x64xf32> -> vector<4000x64xf32>
    %get3A_6 = arith.constant 0 : index
    %get3A_7 = arith.constant 0 : index
    %get3A_8 = vector.load %arg3[%get3A_6, %get3A_7] : memref<1x64xf32, #tpu.memory_space<vmem>>, vector<1x64xf32>
    %add3A = vector.broadcast %get3A_8 : vector<1x64xf32> to vector<4000x64xf32>
    %add3A_9 = arith.addf %dot_general3A_5, %add3A : vector<4000x64xf32>
    %logistic3A = arith.negf %add3A_9 : vector<4000x64xf32>
    %logistic3A_10 = math.exp %logistic3A : vector<4000x64xf32>
    %logistic3A_11 = arith.constant 1.000000e+00 : f32
    %logistic3A_12 = vector.broadcast %logistic3A_11 : f32 to vector<4000x64xf32>
    %logistic3A_13 = arith.addf %logistic3A_12, %logistic3A_10 : vector<4000x64xf32>
    %logistic3A_14 = arith.divf %logistic3A_12, %logistic3A_13 : vector<4000x64xf32>
    %mul3A = arith.mulf %add3A_9, %logistic3A_14 : vector<4000x64xf32>
    %get3A_15 = arith.constant 0 : index
    %get3A_16 = arith.constant 0 : index
    %get3A_17 = vector.load %arg4[%get3A_15, %get3A_16] : memref<64x128xf32, #tpu.memory_space<vmem>>, vector<64x128xf32>
    %dot_general3A_18 = arith.constant dense<0.000000e+00> : vector<4000x128xf32>
    %dot_general3A_19 = tpu.matmul %mul3A, %get3A_17, %dot_general3A_18 {dimension_numbers = #tpu.dot_dimension_numbers<[1], [0], [0], [1], [0, 0, 1, 1], [], []>, transpose_lhs_hint = false} : vector<4000x64xf32>, vector<64x128xf32>, vector<4000x128xf32> -> vector<4000x128xf32>
    %swap3A = arith.constant 0 : index
    %swap3A_20 = arith.constant 0 : index
    %swap3A_21 = vector.load %arg5[%swap3A, %swap3A_20] : memref<4000x128xf32, #tpu.memory_space<vmem>>, vector<4000x128xf32>
    tpu.vector_store %arg5[%swap3A, %swap3A_20], %dot_general3A_19 {strides = array<i32>} : memref<4000x128xf32, #tpu.memory_space<vmem>>, vector<4000x128xf32>,
    return
  }
  func.func @transform_0(%arg0: i32) -> (i32, i32) {
    %c0_i32 = arith.constant 0 : i32
    %c0_i32_0 = arith.constant 0 : i32
    return %arg0, %c0_i32 : i32, i32
  }
  func.func @transform_1(%arg0: i32) -> (i32, i32) {
    %c0_i32 = arith.constant 0 : i32
    %c0_i32_0 = arith.constant 0 : i32
    %c0_i32_1 = arith.constant 0 : i32
    return %c0_i32, %c0_i32_0 : i32, i32
  }
  func.func @transform_2(%arg0: i32) -> (i32, i32) {
    %c0_i32 = arith.constant 0 : i32
    %c0_i32_0 = arith.constant 0 : i32
    %c0_i32_1 = arith.constant 0 : i32
    return %c0_i32, %c0_i32_0 : i32, i32
  }
  func.func @transform_3(%arg0: i32) -> (i32, i32) {
    %c0_i32 = arith.constant 0 : i32
    %c0_i32_0 = arith.constant 0 : i32
    %c0_i32_1 = arith.constant 0 : i32
    return %c0_i32, %c0_i32_0 : i32, i32
  }
  func.func @transform_4(%arg0: i32) -> (i32, i32) {
    %c0_i32 = arith.constant 0 : i32
    %c0_i32_0 = arith.constant 0 : i32
    return %arg0, %c0_i32 : i32, i32
  }
}

module attributes {stable_mosaic.version = 14 : i64} {
  func.func @_update_proj_body(%arg0: i32, %arg1: memref<1000x64xf32, #tpu.memory_space<vmem>>, %arg2: memref<2x1000x128xf32, #tpu.memory_space<vmem>>, %arg3: memref<64x64xf32, #tpu.memory_space<vmem>>, %arg4: memref<64x64xf32, #tpu.memory_space<vmem>>, %arg5: memref<1x64xf32, #tpu.memory_space<vmem>>, %arg6: memref<64x128xf32, #tpu.memory_space<vmem>>, %arg7: memref<1x128xf32, #tpu.memory_space<vmem>>, %arg8: memref<1000x64xf32, #tpu.memory_space<vmem>>, %arg9: memref<1000x128xf32, #tpu.memory_space<vmem>>) attributes {dimension_semantics = [#tpu.dimension_semantics<arbitrary>], iteration_bounds = array<i64: 10>, scalar_prefetch = 0 : i64, scratch_operands = 0 : i64, tpu.core_type = #tpu.core_type<tc>, window_params = [{transform_indices = @transform_0, window_bounds = array<i64: 1000, 64>}, {transform_indices = @transform_1, window_bounds = array<i64: 2, 1000, 128>}, {pipeline_mode = #tpu.pipeline_mode<synchronous>, transform_indices = @transform_2, window_bounds = array<i64: 64, 64>}, {pipeline_mode = #tpu.pipeline_mode<synchronous>, transform_indices = @transform_3, window_bounds = array<i64: 64, 64>}, {pipeline_mode = #tpu.pipeline_mode<synchronous>, transform_indices = @transform_4, window_bounds = array<i64: 1, 64>}, {pipeline_mode = #tpu.pipeline_mode<synchronous>, transform_indices = @transform_5, window_bounds = array<i64: 64, 128>}, {pipeline_mode = #tpu.pipeline_mode<synchronous>, transform_indices = @transform_6, window_bounds = array<i64: 1, 128>}, {transform_indices = @transform_7, window_bounds = array<i64: 1000, 64>}, {transform_indices = @transform_8, window_bounds = array<i64: 1000, 128>}]} {
    %get3A = arith.constant 0 : index
    %get3A_0 = arith.constant 0 : index
    %get3A_1 = arith.constant 0 : index
    %get3A_2 = vector.load %arg2[%get3A, %get3A_0, %get3A_1] : memref<2x1000x128xf32, #tpu.memory_space<vmem>>, vector<1x1000x128xf32>
    %get3A_3 = vector.shape_cast %get3A_2 : vector<1x1000x128xf32> to vector<1000x128xf32>
    %get3A_4 = arith.constant 1 : index
    %get3A_5 = arith.constant 0 : index
    %get3A_6 = arith.constant 0 : index
    %get3A_7 = vector.load %arg2[%get3A_4, %get3A_5, %get3A_6] : memref<2x1000x128xf32, #tpu.memory_space<vmem>>, vector<1x1000x128xf32>
    %get3A_8 = vector.shape_cast %get3A_7 : vector<1x1000x128xf32> to vector<1000x128xf32>
    %add3A = arith.addf %get3A_3, %get3A_8 : vector<1000x128xf32>
    %slice3A = vector.extract_strided_slice %add3A {offsets = [0, 0], sizes = [1000, 64], strides = [1, 1]} : vector<1000x128xf32> to vector<1000x64xf32>
    %get3A_9 = arith.constant 0 : index
    %get3A_10 = arith.constant 0 : index
    %get3A_11 = vector.load %arg1[%get3A_9, %get3A_10] : memref<1000x64xf32, #tpu.memory_space<vmem>>, vector<1000x64xf32>
    %get3A_12 = arith.constant 0 : index
    %get3A_13 = arith.constant 0 : index
    %get3A_14 = vector.load %arg3[%get3A_12, %get3A_13] : memref<64x64xf32, #tpu.memory_space<vmem>>, vector<64x64xf32>
    %dot_general3A = arith.constant dense<0.000000e+00> : vector<1000x64xf32>
    %dot_general3A_15 = tpu.matmul %get3A_11, %get3A_14, %dot_general3A {dimension_numbers = #tpu.dot_dimension_numbers<[1], [0], [0], [1], [0, 0, 1, 1], [], []>, transpose_lhs_hint = false} : vector<1000x64xf32>, vector<64x64xf32>, vector<1000x64xf32> -> vector<1000x64xf32>
    %get3A_16 = arith.constant 0 : index
    %get3A_17 = arith.constant 0 : index
    %get3A_18 = vector.load %arg4[%get3A_16, %get3A_17] : memref<64x64xf32, #tpu.memory_space<vmem>>, vector<64x64xf32>
    %dot_general3A_19 = arith.constant dense<0.000000e+00> : vector<1000x64xf32>
    %dot_general3A_20 = tpu.matmul %slice3A, %get3A_18, %dot_general3A_19 {dimension_numbers = #tpu.dot_dimension_numbers<[1], [0], [0], [1], [0, 0, 1, 1], [], []>, transpose_lhs_hint = false} : vector<1000x64xf32>, vector<64x64xf32>, vector<1000x64xf32> -> vector<1000x64xf32>
    %add3A_21 = arith.addf %dot_general3A_15, %dot_general3A_20 : vector<1000x64xf32>
    %get3A_22 = arith.constant 0 : index
    %get3A_23 = arith.constant 0 : index
    %get3A_24 = vector.load %arg5[%get3A_22, %get3A_23] : memref<1x64xf32, #tpu.memory_space<vmem>>, vector<1x64xf32>
    %add3A_25 = vector.broadcast %get3A_24 : vector<1x64xf32> to vector<1000x64xf32>
    %add3A_26 = arith.addf %add3A_21, %add3A_25 : vector<1000x64xf32>
    %logistic3A = arith.negf %add3A_26 : vector<1000x64xf32>
    %logistic3A_27 = math.exp %logistic3A : vector<1000x64xf32>
    %logistic3A_28 = arith.constant 1.000000e+00 : f32
    %logistic3A_29 = vector.broadcast %logistic3A_28 : f32 to vector<1000x64xf32>
    %logistic3A_30 = arith.addf %logistic3A_29, %logistic3A_27 : vector<1000x64xf32>
    %logistic3A_31 = arith.divf %logistic3A_29, %logistic3A_30 : vector<1000x64xf32>
    %mul3A = arith.mulf %add3A_26, %logistic3A_31 : vector<1000x64xf32>
    %add3A_32 = arith.addf %get3A_11, %mul3A : vector<1000x64xf32>
    %swap3A = arith.constant 0 : index
    %swap3A_33 = arith.constant 0 : index
    %swap3A_34 = vector.load %arg8[%swap3A, %swap3A_33] : memref<1000x64xf32, #tpu.memory_space<vmem>>, vector<1000x64xf32>
    tpu.vector_store %arg8[%swap3A, %swap3A_33], %add3A_32 {strides = array<i32>} : memref<1000x64xf32, #tpu.memory_space<vmem>>, vector<1000x64xf32>,
    %get3A_35 = arith.constant 0 : index
    %get3A_36 = arith.constant 0 : index
    %get3A_37 = vector.load %arg6[%get3A_35, %get3A_36] : memref<64x128xf32, #tpu.memory_space<vmem>>, vector<64x128xf32>
    %dot_general3A_38 = arith.constant dense<0.000000e+00> : vector<1000x128xf32>
    %dot_general3A_39 = tpu.matmul %add3A_32, %get3A_37, %dot_general3A_38 {dimension_numbers = #tpu.dot_dimension_numbers<[1], [0], [0], [1], [0, 0, 1, 1], [], []>, transpose_lhs_hint = false} : vector<1000x64xf32>, vector<64x128xf32>, vector<1000x128xf32> -> vector<1000x128xf32>
    %get3A_40 = arith.constant 0 : index
    %get3A_41 = arith.constant 0 : index
    %get3A_42 = vector.load %arg7[%get3A_40, %get3A_41] : memref<1x128xf32, #tpu.memory_space<vmem>>, vector<1x128xf32>
    %add3A_43 = vector.broadcast %get3A_42 : vector<1x128xf32> to vector<1000x128xf32>
    %add3A_44 = arith.addf %dot_general3A_39, %add3A_43 : vector<1000x128xf32>
    %swap3A_45 = arith.constant 0 : index
    %swap3A_46 = arith.constant 0 : index
    %swap3A_47 = vector.load %arg9[%swap3A_45, %swap3A_46] : memref<1000x128xf32, #tpu.memory_space<vmem>>, vector<1000x128xf32>
    tpu.vector_store %arg9[%swap3A_45, %swap3A_46], %add3A_44 {strides = array<i32>} : memref<1000x128xf32, #tpu.memory_space<vmem>>, vector<1000x128xf32>,
    return
  }
  func.func @transform_0(%arg0: i32) -> (i32, i32) {
    %c0_i32 = arith.constant 0 : i32
    %c0_i32_0 = arith.constant 0 : i32
    return %arg0, %c0_i32 : i32, i32
  }
  func.func @transform_1(%arg0: i32) -> (i32, i32, i32) {
    %c0_i32 = arith.constant 0 : i32
    %c0_i32_0 = arith.constant 0 : i32
    %c0_i32_1 = arith.constant 0 : i32
    return %c0_i32, %arg0, %c0_i32_0 : i32, i32, i32
  }
  func.func @transform_2(%arg0: i32) -> (i32, i32) {
    %c0_i32 = arith.constant 0 : i32
    %c0_i32_0 = arith.constant 0 : i32
    %c0_i32_1 = arith.constant 0 : i32
    return %c0_i32, %c0_i32_0 : i32, i32
  }
  func.func @transform_3(%arg0: i32) -> (i32, i32) {
    %c0_i32 = arith.constant 0 : i32
    %c0_i32_0 = arith.constant 0 : i32
    %c0_i32_1 = arith.constant 0 : i32
    return %c0_i32, %c0_i32_0 : i32, i32
  }
  func.func @transform_4(%arg0: i32) -> (i32, i32) {
    %c0_i32 = arith.constant 0 : i32
    %c0_i32_0 = arith.constant 0 : i32
    %c0_i32_1 = arith.constant 0 : i32
    return %c0_i32, %c0_i32_0 : i32, i32
  }
  func.func @transform_5(%arg0: i32) -> (i32, i32) {
    %c0_i32 = arith.constant 0 : i32
    %c0_i32_0 = arith.constant 0 : i32
    %c0_i32_1 = arith.constant 0 : i32
    return %c0_i32, %c0_i32_0 : i32, i32
  }
  func.func @transform_6(%arg0: i32) -> (i32, i32) {
    %c0_i32 = arith.constant 0 : i32
    %c0_i32_0 = arith.constant 0 : i32
    %c0_i32_1 = arith.constant 0 : i32
    return %c0_i32, %c0_i32_0 : i32, i32
  }
  func.func @transform_7(%arg0: i32) -> (i32, i32) {
    %c0_i32 = arith.constant 0 : i32
    %c0_i32_0 = arith.constant 0 : i32
    return %arg0, %c0_i32 : i32, i32
  }
  func.func @transform_8(%arg0: i32) -> (i32, i32) {
    %c0_i32 = arith.constant 0 : i32
    %c0_i32_0 = arith.constant 0 : i32
    return %arg0, %c0_i32 : i32, i32
  }
}

module attributes {stable_mosaic.version = 14 : i64} {
  func.func @_final_body(%arg0: i32, %arg1: memref<1000x64xf32, #tpu.memory_space<vmem>>, %arg2: memref<2x1000x128xf32, #tpu.memory_space<vmem>>, %arg3: memref<64x64xf32, #tpu.memory_space<vmem>>, %arg4: memref<64x64xf32, #tpu.memory_space<vmem>>, %arg5: memref<1x64xf32, #tpu.memory_space<vmem>>, %arg6: memref<1000x128xf32, #tpu.memory_space<vmem>>, %arg7: memref<64x64xf32, #tpu.memory_space<vmem>>, %arg8: memref<128x64xf32, #tpu.memory_space<vmem>>, %arg9: memref<1x64xf32, #tpu.memory_space<vmem>>, %arg10: memref<1000x64xf32, #tpu.memory_space<vmem>>) attributes {dimension_semantics = [#tpu.dimension_semantics<arbitrary>], iteration_bounds = array<i64: 10>, scalar_prefetch = 0 : i64, scratch_operands = 0 : i64, tpu.core_type = #tpu.core_type<tc>, window_params = [{transform_indices = @transform_0, window_bounds = array<i64: 1000, 64>}, {transform_indices = @transform_1, window_bounds = array<i64: 2, 1000, 128>}, {pipeline_mode = #tpu.pipeline_mode<synchronous>, transform_indices = @transform_2, window_bounds = array<i64: 64, 64>}, {pipeline_mode = #tpu.pipeline_mode<synchronous>, transform_indices = @transform_3, window_bounds = array<i64: 64, 64>}, {pipeline_mode = #tpu.pipeline_mode<synchronous>, transform_indices = @transform_4, window_bounds = array<i64: 1, 64>}, {transform_indices = @transform_5, window_bounds = array<i64: 1000, 128>}, {pipeline_mode = #tpu.pipeline_mode<synchronous>, transform_indices = @transform_6, window_bounds = array<i64: 64, 64>}, {pipeline_mode = #tpu.pipeline_mode<synchronous>, transform_indices = @transform_7, window_bounds = array<i64: 128, 64>}, {pipeline_mode = #tpu.pipeline_mode<synchronous>, transform_indices = @transform_8, window_bounds = array<i64: 1, 64>}, {transform_indices = @transform_9, window_bounds = array<i64: 1000, 64>}]} {
    %get3A = arith.constant 0 : index
    %get3A_0 = arith.constant 0 : index
    %get3A_1 = arith.constant 0 : index
    %get3A_2 = vector.load %arg2[%get3A, %get3A_0, %get3A_1] : memref<2x1000x128xf32, #tpu.memory_space<vmem>>, vector<1x1000x128xf32>
    %get3A_3 = vector.shape_cast %get3A_2 : vector<1x1000x128xf32> to vector<1000x128xf32>
    %get3A_4 = arith.constant 1 : index
    %get3A_5 = arith.constant 0 : index
    %get3A_6 = arith.constant 0 : index
    %get3A_7 = vector.load %arg2[%get3A_4, %get3A_5, %get3A_6] : memref<2x1000x128xf32, #tpu.memory_space<vmem>>, vector<1x1000x128xf32>
    %get3A_8 = vector.shape_cast %get3A_7 : vector<1x1000x128xf32> to vector<1000x128xf32>
    %add3A = arith.addf %get3A_3, %get3A_8 : vector<1000x128xf32>
    %slice3A = vector.extract_strided_slice %add3A {offsets = [0, 0], sizes = [1000, 64], strides = [1, 1]} : vector<1000x128xf32> to vector<1000x64xf32>
    %get3A_9 = arith.constant 0 : index
    %get3A_10 = arith.constant 0 : index
    %get3A_11 = vector.load %arg1[%get3A_9, %get3A_10] : memref<1000x64xf32, #tpu.memory_space<vmem>>, vector<1000x64xf32>
    %get3A_12 = arith.constant 0 : index
    %get3A_13 = arith.constant 0 : index
    %get3A_14 = vector.load %arg3[%get3A_12, %get3A_13] : memref<64x64xf32, #tpu.memory_space<vmem>>, vector<64x64xf32>
    %dot_general3A = arith.constant dense<0.000000e+00> : vector<1000x64xf32>
    %dot_general3A_15 = tpu.matmul %get3A_11, %get3A_14, %dot_general3A {dimension_numbers = #tpu.dot_dimension_numbers<[1], [0], [0], [1], [0, 0, 1, 1], [], []>, transpose_lhs_hint = false} : vector<1000x64xf32>, vector<64x64xf32>, vector<1000x64xf32> -> vector<1000x64xf32>
    %get3A_16 = arith.constant 0 : index
    %get3A_17 = arith.constant 0 : index
    %get3A_18 = vector.load %arg4[%get3A_16, %get3A_17] : memref<64x64xf32, #tpu.memory_space<vmem>>, vector<64x64xf32>
    %dot_general3A_19 = arith.constant dense<0.000000e+00> : vector<1000x64xf32>
    %dot_general3A_20 = tpu.matmul %slice3A, %get3A_18, %dot_general3A_19 {dimension_numbers = #tpu.dot_dimension_numbers<[1], [0], [0], [1], [0, 0, 1, 1], [], []>, transpose_lhs_hint = false} : vector<1000x64xf32>, vector<64x64xf32>, vector<1000x64xf32> -> vector<1000x64xf32>
    %add3A_21 = arith.addf %dot_general3A_15, %dot_general3A_20 : vector<1000x64xf32>
    %get3A_22 = arith.constant 0 : index
    %get3A_23 = arith.constant 0 : index
    %get3A_24 = vector.load %arg5[%get3A_22, %get3A_23] : memref<1x64xf32, #tpu.memory_space<vmem>>, vector<1x64xf32>
    %add3A_25 = vector.broadcast %get3A_24 : vector<1x64xf32> to vector<1000x64xf32>
    %add3A_26 = arith.addf %add3A_21, %add3A_25 : vector<1000x64xf32>
    %logistic3A = arith.negf %add3A_26 : vector<1000x64xf32>
    %logistic3A_27 = math.exp %logistic3A : vector<1000x64xf32>
    %logistic3A_28 = arith.constant 1.000000e+00 : f32
    %logistic3A_29 = vector.broadcast %logistic3A_28 : f32 to vector<1000x64xf32>
    %logistic3A_30 = arith.addf %logistic3A_29, %logistic3A_27 : vector<1000x64xf32>
    %logistic3A_31 = arith.divf %logistic3A_29, %logistic3A_30 : vector<1000x64xf32>
    %mul3A = arith.mulf %add3A_26, %logistic3A_31 : vector<1000x64xf32>
    %add3A_32 = arith.addf %get3A_11, %mul3A : vector<1000x64xf32>
    %get3A_33 = arith.constant 0 : index
    %get3A_34 = arith.constant 0 : index
    %get3A_35 = vector.load %arg7[%get3A_33, %get3A_34] : memref<64x64xf32, #tpu.memory_space<vmem>>, vector<64x64xf32>
    %dot_general3A_36 = arith.constant dense<0.000000e+00> : vector<1000x64xf32>
    %dot_general3A_37 = tpu.matmul %add3A_32, %get3A_35, %dot_general3A_36 {dimension_numbers = #tpu.dot_dimension_numbers<[1], [0], [0], [1], [0, 0, 1, 1], [], []>, transpose_lhs_hint = false} : vector<1000x64xf32>, vector<64x64xf32>, vector<1000x64xf32> -> vector<1000x64xf32>
    %get3A_38 = arith.constant 0 : index
    %get3A_39 = arith.constant 0 : index
    %get3A_40 = vector.load %arg6[%get3A_38, %get3A_39] : memref<1000x128xf32, #tpu.memory_space<vmem>>, vector<1000x128xf32>
    %get3A_41 = arith.constant 0 : index
    %get3A_42 = arith.constant 0 : index
    %get3A_43 = vector.load %arg8[%get3A_41, %get3A_42] : memref<128x64xf32, #tpu.memory_space<vmem>>, vector<128x64xf32>
    %dot_general3A_44 = arith.constant dense<0.000000e+00> : vector<1000x64xf32>
    %dot_general3A_45 = tpu.matmul %get3A_40, %get3A_43, %dot_general3A_44 {dimension_numbers = #tpu.dot_dimension_numbers<[1], [0], [0], [1], [0, 0, 1, 1], [], []>, transpose_lhs_hint = false} : vector<1000x128xf32>, vector<128x64xf32>, vector<1000x64xf32> -> vector<1000x64xf32>
    %add3A_46 = arith.addf %dot_general3A_37, %dot_general3A_45 : vector<1000x64xf32>
    %get3A_47 = arith.constant 0 : index
    %get3A_48 = arith.constant 0 : index
    %get3A_49 = vector.load %arg9[%get3A_47, %get3A_48] : memref<1x64xf32, #tpu.memory_space<vmem>>, vector<1x64xf32>
    %add3A_50 = vector.broadcast %get3A_49 : vector<1x64xf32> to vector<1000x64xf32>
    %add3A_51 = arith.addf %add3A_46, %add3A_50 : vector<1000x64xf32>
    %logistic3A_52 = arith.negf %add3A_51 : vector<1000x64xf32>
    %logistic3A_53 = math.exp %logistic3A_52 : vector<1000x64xf32>
    %logistic3A_54 = arith.constant 1.000000e+00 : f32
    %logistic3A_55 = vector.broadcast %logistic3A_54 : f32 to vector<1000x64xf32>
    %logistic3A_56 = arith.addf %logistic3A_55, %logistic3A_53 : vector<1000x64xf32>
    %logistic3A_57 = arith.divf %logistic3A_55, %logistic3A_56 : vector<1000x64xf32>
    %mul3A_58 = arith.mulf %add3A_51, %logistic3A_57 : vector<1000x64xf32>
    %swap3A = arith.constant 0 : index
    %swap3A_59 = arith.constant 0 : index
    %swap3A_60 = vector.load %arg10[%swap3A, %swap3A_59] : memref<1000x64xf32, #tpu.memory_space<vmem>>, vector<1000x64xf32>
    tpu.vector_store %arg10[%swap3A, %swap3A_59], %mul3A_58 {strides = array<i32>} : memref<1000x64xf32, #tpu.memory_space<vmem>>, vector<1000x64xf32>,
    return
  }
  func.func @transform_0(%arg0: i32) -> (i32, i32) {
    %c0_i32 = arith.constant 0 : i32
    %c0_i32_0 = arith.constant 0 : i32
    return %arg0, %c0_i32 : i32, i32
  }
  func.func @transform_1(%arg0: i32) -> (i32, i32, i32) {
    %c0_i32 = arith.constant 0 : i32
    %c0_i32_0 = arith.constant 0 : i32
    %c0_i32_1 = arith.constant 0 : i32
    return %c0_i32, %arg0, %c0_i32_0 : i32, i32, i32
  }
  func.func @transform_2(%arg0: i32) -> (i32, i32) {
    %c0_i32 = arith.constant 0 : i32
    %c0_i32_0 = arith.constant 0 : i32
    %c0_i32_1 = arith.constant 0 : i32
    return %c0_i32, %c0_i32_0 : i32, i32
  }
  func.func @transform_3(%arg0: i32) -> (i32, i32) {
    %c0_i32 = arith.constant 0 : i32
    %c0_i32_0 = arith.constant 0 : i32
    %c0_i32_1 = arith.constant 0 : i32
    return %c0_i32, %c0_i32_0 : i32, i32
  }
  func.func @transform_4(%arg0: i32) -> (i32, i32) {
    %c0_i32 = arith.constant 0 : i32
    %c0_i32_0 = arith.constant 0 : i32
    %c0_i32_1 = arith.constant 0 : i32
    return %c0_i32, %c0_i32_0 : i32, i32
  }
  func.func @transform_5(%arg0: i32) -> (i32, i32) {
    %c0_i32 = arith.constant 0 : i32
    %c0_i32_0 = arith.constant 0 : i32
    return %arg0, %c0_i32 : i32, i32
  }
  func.func @transform_6(%arg0: i32) -> (i32, i32) {
    %c0_i32 = arith.constant 0 : i32
    %c0_i32_0 = arith.constant 0 : i32
    %c0_i32_1 = arith.constant 0 : i32
    return %c0_i32, %c0_i32_0 : i32, i32
  }
  func.func @transform_7(%arg0: i32) -> (i32, i32) {
    %c0_i32 = arith.constant 0 : i32
    %c0_i32_0 = arith.constant 0 : i32
    %c0_i32_1 = arith.constant 0 : i32
    return %c0_i32, %c0_i32_0 : i32, i32
  }
  func.func @transform_8(%arg0: i32) -> (i32, i32) {
    %c0_i32 = arith.constant 0 : i32
    %c0_i32_0 = arith.constant 0 : i32
    %c0_i32_1 = arith.constant 0 : i32
    return %c0_i32, %c0_i32_0 : i32, i32
  }
  func.func @transform_9(%arg0: i32) -> (i32, i32) {
    %c0_i32 = arith.constant 0 : i32
    %c0_i32_0 = arith.constant 0 : i32
    return %arg0, %c0_i32 : i32, i32
  }
}

</mosaic_0001>

<sc_bundles>
// kernel: kernel.11.cloned.1.call-start
scs
__scs_entry_jumppad:
0x0: {  	(pc) =	sbr.rel $0x88, $3  }
0x1: {  	(tag) =	ssettag $0x0;
	lr =	simm.s32 $0x1  }
0x2: {  	[smem:$0x3F90] =	sst lr;
	_ =	strace $0xD0000000  }
0x3: {  	_ = 	snop  }
0x4: {  	_ = 	snop  }
0x5: {  	_ = 	snop  }
0x6: {  	_ = 	snop  }
0x7: {  	_ = 	snop  }
__scs_overlays_trampoline_lowered:
0x8: {  	[smem:$0x3F9F] =	sst s0  }
0x9: {  	[smem:$0x3FA0] =	sst s1  }
0xa: {  	[smem:$0x3FA1] =	sst s2  }
0xb: {  	[smem:$0x3FA2] =	sst s3  }
0xc: {  	[smem:$0x3FA3] =	sst s4  }
0xd: {  	[smem:$0x3FA4] =	sst s5  }
0xe: {  	[smem:$0x3FA5] =	sst s6  }
0xf: {  	[smem:$0x3FA6] =	sst s7  }
0x10: {  	[smem:$0x3FA7] =	sst s8  }
0x11: {  	[smem:$0x3FA8] =	sst s9;
	s0 =	simm.s32 @!p0 $0x0  }
0x12: {  	s1 =	sld [smem:$0x3F8E];
	s0 =	simm.s32 @p0 $0x1  }
0x13: {  	[smem:$0x3FA9] =	sst s0;
	s0 =	simm.s32 @!p1 $0x0  }
0x14: {  	s2 =	sld [smem:$0x3F8D];
	s0 =	simm.s32 @p1 $0x1  }
0x15: {  	[smem:$0x3FAA] =	sst s0;
	s0 =	simm.s32 @!p2 $0x0  }
0x16: {  	s3 =	sld [smem:$0x3FDB];
	s0 =	simm.s32 @p2 $0x1  }
0x17: {  	s4 =	simm.s32 $0x1BF5;
	[smem:$0x3FAC] =	sst s0  }
0x18: {  	s0 =	sld [smem:$0x3F8F];
	_ =	swait.ge [sflag:s4], $0x0  }
0x19: {  	s7 =	sld [smem:$0x3F90]  }
0x1a: {  	s8 =	sadd.s32 $0xFFFFE003, lr  }
0x1b: {  	s9 =	sadd.s32 $0xFFFFFEF7, lr;
	s5 =	simm.s32 $0xFFFFFFFF;
	p2 =	slt.u32 s8, $0xFFFFF086  }
0x1c: {  	p1 =	slt.u32 s9, $0xF7A;
	s5 =	simm.s32 @!p2 $0x0  }
0x1d: {  	s5 =	simm.s32 @p1 $0x1;
	p0 =	seq.s32 s7, s2  }
0x1e: {  	s7 =	smul.u32 @!p0 $0xF7A, s2;
	p2 =	seq.s32 @!p0 s5, $0x0  }
0x1f: {  	s9 =	smul.u32 $0xF7A, s1;
	s8 =	simm.s32 @!p0 $0x1BF5;
	p2 =	por !p2, p0  }
0x20: {  	[sflag:s8] =	ssyncset.s32 @!p0 $0xFFFFF086;
	s6 =	sadd.s32 @!p0 s3, s7;
	s7 =	simm.s32 @!p0 $0x108  }
0x21: {  	s3 =	sadd.s32 s3, s9;
	s6 =	sadd.s32 @!p0 $0x88, s6;
	s7 =	simm.s32 @p2 $0x1082  }
0x22: {  	[simem:s7], [sflag:s8] =	dma.local @!p0 [hbm:s6], $0xF7A  }
0x23: {  	s9 =	sor.u32 $0xD0000000, s2;
	s6 =	simm.s32 $0x108;
	_ =	swait.ge @!p0 [sflag:s8], $0x0  }
0x24: {  	s3 =	sadd.s32 $0x88, s3;
	s6 =	simm.s32 @!p1 $0x1082;
	[sflag:s4] =	ssyncset.s32 $0xFFFFF086  }
0x25: {  	[simem:s6], [sflag:s4] =	dma.local [hbm:s3], $0xF7A  }
0x26: {  	[smem:$0x3F90] =	sst s1;
	(tag) =	ssettag s2;
	_ =	strace s9  }
0x27: {  	s1 =	sld [smem:$0x3FA0]  }
0x28: {  	s2 =	sld [smem:$0x3FA1]  }
0x29: {  	s4 =	sld [smem:$0x3FA3]  }
0x2a: {  	p0 =	seq.s32 s5, $0x0;
	s5 =	sld [smem:$0x3FA4]  }
0x2b: {  	s6 =	sld [smem:$0x3FA5]  }
0x2c: {  	s7 =	sld [smem:$0x3FA6]  }
0x2d: {  	s3 =	simm.s32 $0x108;
	s8 =	sld [smem:$0x3FA7]  }
0x2e: {  	s3 =	simm.s32 @!p0 $0x1082;
	s9 =	sld [smem:$0x3FA8]  }
0x2f: {  	lr =	sadd.s32 s0, s3;
	s0 =	sld [smem:$0x3F9F]  }
0x30: {  	s3 =	sld [smem:$0x3FA2]  }
0x31: {  	[smem:$0x3FAB] =	sst s10  }
0x32: {  	s10 =	sld [smem:$0x3FA9];
	_ =	sdelay $0x3  }
0x33: {  	p0 =	seq.s32 s10, $0x1;
	s10 =	sld [smem:$0x3FAB];
	_ =	sdelay $0x3  }
0x34: {  	[smem:$0x3FAB] =	sst s10  }
0x35: {  	s10 =	sld [smem:$0x3FAA];
	_ =	sdelay $0x3  }
0x36: {  	p1 =	seq.s32 s10, $0x1;
	s10 =	sld [smem:$0x3FAB];
	_ =	sdelay $0x3  }
0x37: {  	[smem:$0x3FAB] =	sst s10  }
0x38: {  	s10 =	sld [smem:$0x3FAC]  }
0x39: {  	_ = 	snop;
	(pc) =	sbr.ind lr, $3  }
0x3a: {  	_ = 	snop  }
0x3b: {  	_ = 	snop  }
0x3c: {  	p2 =	seq.s32 s10, $0x1;
	s10 =	sld [smem:$0x3FAB]  }
0x3d: {  	_ =	shalt  }
0x3e: {  	_ =	shalt  }
0x3f: {  	_ =	shalt  }
0x40: {  	_ =	shalt  }
0x41: {  	_ =	shalt  }
0x42: {  	_ =	shalt  }
0x43: {  	_ =	shalt  }
0x44: {  	_ =	shalt  }
0x45: {  	_ =	shalt  }
0x46: {  	_ =	shalt  }
0x47: {  	_ =	shalt  }
0x48: {  	_ =	shalt  }
0x49: {  	_ =	shalt  }
0x4a: {  	_ =	shalt  }
0x4b: {  	_ =	shalt  }
0x4c: {  	_ =	shalt  }
0x4d: {  	_ =	shalt  }
0x4e: {  	_ =	shalt  }
0x4f: {  	_ =	shalt  }
0x50: {  	_ =	shalt  }
0x51: {  	_ =	shalt  }
0x52: {  	_ =	shalt  }
0x53: {  	_ =	shalt  }
0x54: {  	_ =	shalt  }
0x55: {  	_ =	shalt  }
0x56: {  	_ =	shalt  }
0x57: {  	_ =	shalt  }
0x58: {  	_ =	shalt  }
0x59: {  	_ =	shalt  }
0x5a: {  	_ =	shalt  }
0x5b: {  	_ =	shalt  }
0x5c: {  	_ =	shalt  }
0x5d: {  	_ =	shalt  }
0x5e: {  	_ =	shalt  }
0x5f: {  	_ =	shalt  }
0x60: {  	_ =	shalt  }
0x61: {  	_ =	shalt  }
0x62: {  	_ =	shalt  }
0x63: {  	_ =	shalt  }
0x64: {  	_ =	shalt  }
0x65: {  	_ =	shalt  }
0x66: {  	_ =	shalt  }
0x67: {  	_ =	shalt  }
0x68: {  	_ =	shalt  }
0x69: {  	_ =	shalt  }
0x6a: {  	_ =	shalt  }
0x6b: {  	_ =	shalt  }
0x6c: {  	_ =	shalt  }
0x6d: {  	_ =	shalt  }
0x6e: {  	_ =	shalt  }
0x6f: {  	_ =	shalt  }
0x70: {  	_ =	shalt  }
0x71: {  	_ =	shalt  }
0x72: {  	_ =	shalt  }
0x73: {  	_ =	shalt  }
0x74: {  	_ =	shalt  }
0x75: {  	_ =	shalt  }
0x76: {  	_ =	shalt  }
0x77: {  	_ =	shalt  }
0x78: {  	_ =	shalt  }
0x79: {  	_ =	shalt  }
0x7a: {  	_ =	shalt  }
0x7b: {  	_ =	shalt  }
0x7c: {  	_ =	shalt  }
0x7d: {  	_ =	shalt  }
0x7e: {  	_ =	shalt  }
0x7f: {  	_ =	shalt  }
0x80: {  	_ =	shalt  }
0x81: {  	_ =	shalt  }
0x82: {  	_ =	shalt  }
0x83: {  	_ =	shalt  }
0x84: {  	_ =	shalt  }
0x85: {  	_ =	shalt  }
0x86: {  	_ =	shalt  }
0x87: {  	_ =	shalt  }
.Lfunc_end0:
.L_simem_size_0:
called_computation.1_lowered:
.L_overlay_start_0:
0x88: {  	s2 =	sld [smem:$0x3FD9]  }
0x89: {  	s3 =	sld [smem:$0x3FFE];
	_ =	sdelay $0x1  }
0x8a: {  	s1 =	srdreg.scid  }
0x8b: {  	s0 =	sand.u32 $0x1, s1  }
0x8c: {  	s17 =	sshll.u32 s0, $0xA;
	s2 =	sadd.s32 s3, s2  }
0x8d: {  	s2 =	sadd.s32 s2, s17  }
0x8e: {  	[smem:$0x3FB7] =	sst s2  }
0x8f: {  	_ = 	snop  }
0x90: {  	s2 =	sld [smem:$0x3FD0];
	(tm) =	ssettm $0x1  }
0x91: {  	s18 =	sld [smem:$0x3FFB];
	_ =	sdelay $0x3  }
0x92: {  	_ =	strace s18  }
0x93: {  	s3 =	sld [smem:$0x3FFC];
	_ =	sdelay $0x3  }
0x94: {  	_ =	strace s3  }
0x95: {  	s3 =	sld [smem:$0x3FFD];
	_ =	sdelay $0x3  }
0x96: {  	_ =	strace s3  }
0x97: {  	_ =	strace $0x8FFFFFFF  }
0x98: {  	s19 =	sld [smem:$0x3FDB];
	_ =	sdelay $0x1  }
0x99: {  	s4 =	simm.s32 $_scs_section_size  }
0x9a: {  	s5 =	simm.s32 $_size__tile_overlayer_lowered;
	s6 =	simm.s32 $_tile_overlayer_lowered  }
0x9b: {  	s22 =	simm.s32 $0x1BFF;
	s21 =	sshll.u32 s6, $0x1;
	s3 =	sadd.s32 s4, s19  }
0x9c: {  	s7 =	simm.s32 $0x0;
	s20 =	sshll.u32 s5, $0x1;
	s5 =	sadd.s32 s21, s3  }
0x9d: {  	[timem:s7], [sflag:s22] =	dma.local [hbm:s5], s20  }
0x9e: {  	_ =	swait.ge [sflag:s22], s20  }
0x9f: {  	s4 =	ssub.s32 $0x0, s20;
	[sflag:s22] =	ssyncset.done $0x0  }
0xa0: {  	[sflag:s22] =	ssyncadd.s32 s4;
	_ =	sdelay $0x1  }
0xa1: {  	s23 =	simm.s32 $0x1B8B  }
0xa2: {  	_ =	swait.ge [sflag:s23], $0x1  }
0xa3: {  	[sflag:s23] =	ssyncset.done $0x0  }
0xa4: {  	s25 =	simm.s32 $0x1B8E;
	s24 =	sld [smem:$0x3FFE];
	[sflag:s23] =	ssyncadd.s32 $0xFFFFFFFF  }
0xa5: {  	s26 =	simm.s32 $execute0_lowered;
	[smem:$0x3FD2] =	sst s25  }
0xa6: {  	s5 =	sshll.u32 s26, $0x1;
	_ =	strace $0x80000049;
	[dreg:$0x1] =	wrdreg $0xFFFFFFFF  }
0xa7: {  	s28 =	simm.s32 $_size_execute0_lowered;
	s3 =	sadd.s32 s3, s5;
	[dreg:$0x0] =	wrdreg $0x0  }
0xa8: {  	s5 =	sshll.u32 s28, $0x1;
	[dreg:$0x2] =	wrdreg s3  }
0xa9: {  	[dreg:$0x3] =	wrdreg s5  }
0xaa: {  	[dreg:$0x4] =	wrdreg $0xC0  }
0xab: {  	_ =	task [dreg:s7], $0x5FFFF  }
0xac: {  	[dreg:$0x1] =	wrdreg $0xFFFFFFFF  }
0xad: {  	[dreg:$0x0] =	wrdreg $0x60  }
0xae: {  	[dreg:$0x2] =	wrdreg s24  }
0xaf: {  	[dreg:$0x3] =	wrdreg s2  }
0xb0: {  	[dreg:$0x4] =	wrdreg $0x89000  }
0xb1: {  	[dreg:$0x5] =	wrdreg $0x9  }
0xb2: {  	_ =	task.clear_ibuf [dreg:s7], $0x6FFFF;
	_ =	strace $0x90000049  }
0xb3: {  	s29 =	simm.s32 $0x9;
	_ =	strace $0x8000004B  }
0xb4: {  	_ =	swait.ge [sflag:s29], $0x1  }
0xb5: {  	[sflag:s29] =	ssyncadd.s32 $0xFFFFFFFF  }
0xb6: {  	_ =	strace $0x9000004B  }
0xb7: {  	_ =	sfence  }
0xb8: {  	s30 =	sld [smem:$0x0];
	_ =	sdelay $0x2  }
0xb9: {  	s31 =	sshll.u32 s1, $0xD;
	s1 =	sshrl.u32 s1, $0x2  }
0xba: {  	s3 =	sand.u32 $0x4000, s31;
	s1 =	sadd.s32 s1, s30  }
0xbb: {  	s0 =	sor.u32 s3, s0;
	s1 =	sshll.u32 s1, $0x11  }
0xbc: {  	s0 =	sor.u32 s1, s0  }
0xbd: {  	s0 =	sadd.s32 $0x8F2B, s0  }
0xbe: {  	[sflag:s0] =	ssyncadd.remote.s32 $0x1  }
0xbf: {  	_ =	sfence.sel $0xFFFF  }
0xc0: {  	[dreg:$0x0] =	wrdreg $0xFFFFFFFF;
	(pc) =	sbr.abs _section_cstart, $3  }
0xc1: {  	[dreg:$0x1] =	wrdreg $0xFFFFFFFF  }
0xc2: {  	_ =	task.clear_ibuf [dreg:s7], $0x2FFFF;
	_ =	strace $0x9FFFFFFF  }
0xc3: {  	(tm) =	ssettm $0x7FFFFFFF  }
tec
execute0_lowered:
.L_overlay_start_1:
0x0: {  	(tag) =	ssettag $0x1  }
0x1: {  	s0 =	rddreg [dreg:$0x0]  }
0x2: {  	s1 =	rddreg [dreg:$0x1]  }
0x3: {  	s2 =	rddreg [dreg:$0x2]  }
0x4: {  	s3 =	srdreg.scid;
	s11 =	stileid.u32  }
0x5: {  	s4 =	simm.s32 $0x0;
	s3 =	sand.u32 $0x1, s3;
	s9 =	smul.u32 $0x14000, s11  }
0x6: {  	[smem:$0x7FF] =	sst s4;
	s10 =	smul.u32 $0x50000, s11;
	s25 =	ssub.s32 $0x2, s3  }
0x7: {  	s11 =	sshll.u32 s11, $0x1;
	s8 =	smul.u32 $0x140000, s3;
	s26 =	sshrl.u32 s25, $0x1  }
0x8: {  	s3 =	sor.u32 s3, s11;
	s11 =	sshrl.u32 s10, $0x2;
	s12 =	ssub.s32 s25, s26  }
0x9: {  	s8 =	sadd.s32 s9, s8;
	s9 =	sadd.s32 s11, s2;
	s12 =	smax.u32 s12, $0x1  }
0xa: {  	_ =	strace $0x8000004A;
	s13 =	sadd.s32 $0x1000, s9;
	[dreg:$0x5] =	wrdreg s12  }
0xb: {  	s14 =	sadd.s32 $0x2000, s9;
	[dreg:$0x6] =	wrdreg s13  }
0xc: {  	s5 =	sadd.s32 $0x4400, s0;
	s15 =	sadd.s32 $0x3000, s9;
	[dreg:$0x7] =	wrdreg s14  }
0xd: {  	s6 =	sadd.s32 $0x4F0A00, s0;
	s16 =	sadd.s32 $0x4000, s9;
	[dreg:$0x8] =	wrdreg s15  }
0xe: {  	s7 =	sadd.s32 $0x4E6C00, s0;
	s17 =	sadd.s32 $0x5000, s9;
	[dreg:$0x9] =	wrdreg s16  }
0xf: {  	s10 =	simm.s32 $0x80;
	s18 =	sadd.s32 $0x6000, s9;
	[dreg:$0xa] =	wrdreg s17  }
0x10: {  	s11 =	simm.s32 $0x50;
	s19 =	sadd.s32 $0x7000, s9;
	[dreg:$0xb] =	wrdreg s18  }
0x11: {  	s8 =	sshrl.u32 s8, $0x3;
	s20 =	sadd.s32 $0x8000, s9;
	[dreg:$0xc] =	wrdreg s19  }
0x12: {  	s21 =	sadd.s32 $0x9000, s9;
	s22 =	sadd.s32 $0xA000, s9;
	[dreg:$0xd] =	wrdreg s20  }
0x13: {  	s23 =	sadd.s32 $0xB000, s9;
	s24 =	sadd.s32 $0xC000, s9;
	[dreg:$0xe] =	wrdreg s21  }
0x14: {  	s25 =	sadd.s32 $0xD000, s9;
	s26 =	sadd.s32 $0xE000, s9;
	[dreg:$0xf] =	wrdreg s22  }
0x15: {  	s28 =	sadd.s32 $0x10000, s9;
	s29 =	sadd.s32 $0x11000, s9;
	[dreg:$0x10] =	wrdreg s23  }
0x16: {  	s30 =	sadd.s32 $0x12000, s9;
	s31 =	sadd.s32 $0x13000, s9;
	[dreg:$0x11] =	wrdreg s24  }
0x17: {  	s0 =	sadd.s32 s8, s0;
	s8 =	smul.u32 $0x2710, s3;
	[dreg:$0x12] =	wrdreg s25  }
0x18: {  	[dreg:$0x13] =	wrdreg s26;
	s26 =	sadd.s32 $0xF000, s9;
	s3 =	simm.s32 $0x4  }
0x19: {  	s12 =	simm.s32 $0x100;
	s13 =	simm.s32 $0x2900;
	s14 =	simm.s32 $0x5100  }
0x1a: {  	s15 =	simm.s32 $0x1;
	s16 =	simm.s32 $0x2;
	s0 =	sadd.s32 $0x52800, s0  }
0x1b: {  	v0 =	vimm.f32 $0.0e+00;
	s17 =	simm.s32 $0x3;
	[dreg:$0x4] =	wrdreg s0;
	s0 =	simm.s32 $0x7900  }
.LBB2_1:
0x1c: {  	s18 =	simm.s32 $0x0;
	s19 =	simm.s32 $0x200  }
.LBB2_2:
0x1d: {  	p0 =	sne.s32 s19, $0x3E00;
	[tilespmem:s18+$0x7970] =	vst v0  }
0x1e: {  	[tilespmem:s18+$0x7900] =	vst v0  }
0x1f: {  	[tilespmem:s18+$0x7910] =	vst v0  }
.Ltmp0:
0x20: {  	[tilespmem:s18+$0x7920] =	vst v0;
	(pc) =	sbr.rel @p0 .LBB2_2-.Ltmp0, $4  }
0x21: {  	[tilespmem:s18+$0x7930] =	vst v0  }
0x22: {  	[tilespmem:s18+$0x7940] =	vst v0  }
0x23: {  	[tilespmem:s18+$0x7950] =	vst v0  }
0x24: {  	[tilespmem:s18+$0x7960] =	vst v0;
	s18 =	sshra.s32 s19, $0x2;
	s19 =	sadd.s32 $0x200, s19  }
0x25: {  	[tilespmem:s18+$0x7970] =	vst v0  }
0x26: {  	[tilespmem:s18+$0x7900] =	vst v0  }
0x27: {  	[tilespmem:s18+$0x7910] =	vst v0  }
0x28: {  	[tilespmem:s18+$0x7920] =	vst v0  }
0x29: {  	[tilespmem:s18+$0x7930] =	vst v0  }
0x2a: {  	[tilespmem:s18+$0x7940] =	vst v0  }
0x2b: {  	[tilespmem:s18+$0x7950] =	vst v0  }
0x2c: {  	[tilespmem:s18+$0x7960] =	vst v0  }
0x2d: {  	[spmem:s9] =	stream.linear.scatter [tilespmem:s0], [sflag:$0x4], $0x1000, $0x38;
	[tilespmem:$0x1C900] =	vst v63  }
0x2e: {  	_ =	swait.ge [sflag:s3], $0x1000  }
0x2f: {  	[sflag:s3] =	ssyncset.done $0x0  }
0x30: {  	s19 =	rddreg [dreg:$0x6];
	[sflag:s3] =	ssyncadd.s32 $0xFFFFF000  }
0x31: {  	[spmem:s19] =	stream.linear.scatter [tilespmem:s0], [sflag:$0x4], $0x1000, $0x38;
	[tilespmem:$0x1C900] =	vst v63  }
0x32: {  	_ =	swait.ge [sflag:s3], $0x1000  }
0x33: {  	[sflag:s3] =	ssyncset.done $0x0  }
0x34: {  	s20 =	rddreg [dreg:$0x7];
	[sflag:s3] =	ssyncadd.s32 $0xFFFFF000  }
0x35: {  	[spmem:s20] =	stream.linear.scatter [tilespmem:s0], [sflag:$0x4], $0x1000, $0x38;
	[tilespmem:$0x1C900] =	vst v63  }
0x36: {  	_ =	swait.ge [sflag:s3], $0x1000  }
0x37: {  	[sflag:s3] =	ssyncset.done $0x0  }
0x38: {  	s21 =	rddreg [dreg:$0x8];
	[sflag:s3] =	ssyncadd.s32 $0xFFFFF000  }
0x39: {  	[spmem:s21] =	stream.linear.scatter [tilespmem:s0], [sflag:$0x4], $0x1000, $0x38;
	[tilespmem:$0x1C900] =	vst v63  }
0x3a: {  	_ =	swait.ge [sflag:s3], $0x1000  }
0x3b: {  	[sflag:s3] =	ssyncset.done $0x0  }
0x3c: {  	s22 =	rddreg [dreg:$0x9];
	[sflag:s3] =	ssyncadd.s32 $0xFFFFF000  }
0x3d: {  	[spmem:s22] =	stream.linear.scatter [tilespmem:s0], [sflag:$0x4], $0x1000, $0x38;
	[tilespmem:$0x1C900] =	vst v63  }
0x3e: {  	_ =	swait.ge [sflag:s3], $0x1000  }
0x3f: {  	[sflag:s3] =	ssyncset.done $0x0  }
0x40: {  	s23 =	rddreg [dreg:$0xa];
	[sflag:s3] =	ssyncadd.s32 $0xFFFFF000  }
0x41: {  	[spmem:s23] =	stream.linear.scatter [tilespmem:s0], [sflag:$0x4], $0x1000, $0x38;
	[tilespmem:$0x1C900] =	vst v63  }
0x42: {  	_ =	swait.ge [sflag:s3], $0x1000  }
0x43: {  	[sflag:s3] =	ssyncset.done $0x0  }
0x44: {  	s24 =	rddreg [dreg:$0xb];
	[sflag:s3] =	ssyncadd.s32 $0xFFFFF000  }
0x45: {  	[spmem:s24] =	stream.linear.scatter [tilespmem:s0], [sflag:$0x4], $0x1000, $0x38;
	[tilespmem:$0x1C900] =	vst v63  }
0x46: {  	_ =	swait.ge [sflag:s3], $0x1000  }
0x47: {  	[sflag:s3] =	ssyncset.done $0x0  }
0x48: {  	s25 =	rddreg [dreg:$0xc];
	[sflag:s3] =	ssyncadd.s32 $0xFFFFF000  }
0x49: {  	[spmem:s25] =	stream.linear.scatter [tilespmem:s0], [sflag:$0x4], $0x1000, $0x38;
	[tilespmem:$0x1C900] =	vst v63  }
0x4a: {  	_ =	swait.ge [sflag:s3], $0x1000  }
0x4b: {  	[sflag:s3] =	ssyncset.done $0x0  }
0x4c: {  	s19 =	rddreg [dreg:$0xd];
	[sflag:s3] =	ssyncadd.s32 $0xFFFFF000  }
0x4d: {  	[spmem:s19] =	stream.linear.scatter [tilespmem:s0], [sflag:$0x4], $0x1000, $0x38;
	[tilespmem:$0x1C900] =	vst v63  }
0x4e: {  	_ =	swait.ge [sflag:s3], $0x1000  }
0x4f: {  	[sflag:s3] =	ssyncset.done $0x0  }
0x50: {  	s20 =	rddreg [dreg:$0xe];
	[sflag:s3] =	ssyncadd.s32 $0xFFFFF000  }
0x51: {  	[spmem:s20] =	stream.linear.scatter [tilespmem:s0], [sflag:$0x4], $0x1000, $0x38;
	[tilespmem:$0x1C900] =	vst v63  }
0x52: {  	_ =	swait.ge [sflag:s3], $0x1000  }
0x53: {  	[sflag:s3] =	ssyncset.done $0x0  }
0x54: {  	s21 =	rddreg [dreg:$0xf];
	[sflag:s3] =	ssyncadd.s32 $0xFFFFF000  }
0x55: {  	[spmem:s21] =	stream.linear.scatter [tilespmem:s0], [sflag:$0x4], $0x1000, $0x38;
	[tilespmem:$0x1C900] =	vst v63  }
0x56: {  	_ =	swait.ge [sflag:s3], $0x1000  }
0x57: {  	[sflag:s3] =	ssyncset.done $0x0  }
0x58: {  	s22 =	rddreg [dreg:$0x10];
	[sflag:s3] =	ssyncadd.s32 $0xFFFFF000  }
0x59: {  	[spmem:s22] =	stream.linear.scatter [tilespmem:s0], [sflag:$0x4], $0x1000, $0x38;
	[tilespmem:$0x1C900] =	vst v63  }
0x5a: {  	_ =	swait.ge [sflag:s3], $0x1000  }
0x5b: {  	[sflag:s3] =	ssyncset.done $0x0  }
0x5c: {  	s23 =	rddreg [dreg:$0x11];
	[sflag:s3] =	ssyncadd.s32 $0xFFFFF000  }
0x5d: {  	[spmem:s23] =	stream.linear.scatter [tilespmem:s0], [sflag:$0x4], $0x1000, $0x38;
	[tilespmem:$0x1C900] =	vst v63  }
0x5e: {  	_ =	swait.ge [sflag:s3], $0x1000  }
0x5f: {  	[sflag:s3] =	ssyncset.done $0x0  }
0x60: {  	s24 =	rddreg [dreg:$0x12];
	[sflag:s3] =	ssyncadd.s32 $0xFFFFF000  }
0x61: {  	[spmem:s24] =	stream.linear.scatter [tilespmem:s0], [sflag:$0x4], $0x1000, $0x38;
	[tilespmem:$0x1C900] =	vst v63  }
0x62: {  	_ =	swait.ge [sflag:s3], $0x1000  }
0x63: {  	[sflag:s3] =	ssyncset.done $0x0  }
0x64: {  	s25 =	rddreg [dreg:$0x13];
	[sflag:s3] =	ssyncadd.s32 $0xFFFFF000  }
0x65: {  	[spmem:s25] =	stream.linear.scatter [tilespmem:s0], [sflag:$0x4], $0x1000, $0x38;
	[tilespmem:$0x1C900] =	vst v63  }
0x66: {  	_ =	swait.ge [sflag:s3], $0x1000  }
0x67: {  	[sflag:s3] =	ssyncset.done $0x0  }
0x68: {  	[sflag:s3] =	ssyncadd.s32 $0xFFFFF000  }
0x69: {  	[spmem:s26] =	stream.linear.scatter [tilespmem:s0], [sflag:$0x4], $0x1000, $0x38;
	[tilespmem:$0x1C900] =	vst v63  }
0x6a: {  	_ =	swait.ge [sflag:s3], $0x1000  }
0x6b: {  	[sflag:s3] =	ssyncset.done $0x0  }
0x6c: {  	[sflag:s3] =	ssyncadd.s32 $0xFFFFF000  }
0x6d: {  	[spmem:s28] =	stream.linear.scatter [tilespmem:s0], [sflag:$0x4], $0x1000, $0x38;
	[tilespmem:$0x1C900] =	vst v63  }
0x6e: {  	_ =	swait.ge [sflag:s3], $0x1000  }
0x6f: {  	[sflag:s3] =	ssyncset.done $0x0  }
0x70: {  	[sflag:s3] =	ssyncadd.s32 $0xFFFFF000  }
0x71: {  	[spmem:s29] =	stream.linear.scatter [tilespmem:s0], [sflag:$0x4], $0x1000, $0x38;
	[tilespmem:$0x1C900] =	vst v63  }
0x72: {  	_ =	swait.ge [sflag:s3], $0x1000  }
0x73: {  	[sflag:s3] =	ssyncset.done $0x0  }
0x74: {  	[sflag:s3] =	ssyncadd.s32 $0xFFFFF000  }
0x75: {  	[spmem:s30] =	stream.linear.scatter [tilespmem:s0], [sflag:$0x4], $0x1000, $0x38;
	[tilespmem:$0x1C900] =	vst v63  }
0x76: {  	_ =	swait.ge [sflag:s3], $0x1000  }
0x77: {  	[sflag:s3] =	ssyncset.done $0x0  }
0x78: {  	[sflag:s3] =	ssyncadd.s32 $0xFFFFF000  }
0x79: {  	[spmem:s31] =	stream.linear.scatter [tilespmem:s0], [sflag:$0x4], $0x1000, $0x38;
	[tilespmem:$0x1C900] =	vst v63  }
0x7a: {  	_ =	swait.ge [sflag:s3], $0x1000  }
0x7b: {  	[sflag:s3] =	ssyncset.done $0x0  }
0x7c: {  	[sflag:s3] =	ssyncadd.s32 $0xFFFFF000  }
0x7d: {  	s18 =	simm.s32 $0x0;
	s19 =	simm.s32 $0x0;
	[bflag:$0x0] =	sbarrier.arrive $0xFFFF  }
.LBB2_4:
0x7e: {  	s20 =	smul.u32 $0x50, s19;
	_ =	sdelay $0x1  }
0x7f: {  	s20 =	sadd.s32 s8, s20  }
0x80: {  	s21 =	sshrl.u32 s20, $0x3  }
0x81: {  	s22 =	sadd.s32 s7, s21  }
0x82: {  	[tilespmem:s18], [sflag:$0x4] =	stream.linear.gather [hbm4b:s22+s18], $0x50, $0x38;
	[tilespmem:$0x1C900] =	vst v63  }
0x83: {  	_ =	swait.ge [sflag:s3], $0x50  }
0x84: {  	[sflag:s3] =	ssyncset.done $0x0  }
0x85: {  	s21 =	sadd.s32 s1, s21;
	[sflag:s3] =	ssyncadd.s32 $0xFFFFFFB0  }
0x86: {  	[tilespmem:s10], [sflag:$0x4] =	stream.linear.gather [hbm4b:s21+s18], $0x50, $0x38;
	[tilespmem:$0x1C900] =	vst v63  }
0x87: {  	_ =	swait.ge [sflag:s3], $0x50  }
0x88: {  	[sflag:s3] =	ssyncset.done $0x0  }
0x89: {  	[sflag:s3] =	ssyncadd.s32 $0xFFFFFFB0  }
0x8a: {  	[tilespmem:s12], [sflag:$0x1] =	stream.indirect.gather [hbm4b:s5+s11], $0x80, s18, s11, $0xb8;
	[tilespmem:$0x1C900] =	vst v63  }
0x8b: {  	s20 =	sshll.u32 s20, $0x4  }
0x8c: {  	[tilespmem:s13], [sflag:$0x2] =	stream.indirect.gather [hbm4b:s5+s11], $0x80, s10, s11, $0xb8;
	[tilespmem:$0x1C900] =	vst v63  }
0x8d: {  	s20 =	sadd.s32 s6, s20  }
0x8e: {  	[tilespmem:s14], [sflag:$0x3] =	stream.linear.gather [hbm4b:s20+s18], $0x2800, $0x38;
	[tilespmem:$0x1C900] =	vst v63  }
0x8f: {  	_ =	swait.ge [sflag:s15], $0x2800  }
0x90: {  	[sflag:s15] =	ssyncset.done $0x0  }
0x91: {  	[sflag:s15] =	ssyncadd.s32 $0xFFFFD800  }
0x92: {  	_ =	swait.ge [sflag:s16], $0x2800  }
0x93: {  	[sflag:s16] =	ssyncset.done $0x0  }
0x94: {  	[sflag:s16] =	ssyncadd.s32 $0xFFFFD800  }
0x95: {  	_ =	swait.ge [sflag:s17], $0x2800  }
0x96: {  	[sflag:s17] =	ssyncset.done $0x0  }
0x97: {  	s23 =	simm.s32 $0x0;
	[sflag:s17] =	ssyncadd.s32 $0xFFFFD800  }
0x98: {  	v1 =	vld [tilespmem:s23+$0x130]  }
0x99: {  	v2 =	vld [tilespmem:s23+$0x2970]  }
0x9a: {  	v3 =	vld [tilespmem:s23+$0x100]  }
0x9b: {  	v4 =	vld [tilespmem:s23+$0x5170]  }
0x9c: {  	v5 =	vld [tilespmem:s23+$0x2940]  }
0x9d: {  	v6 =	vld [tilespmem:s23+$0x110]  }
0x9e: {  	v7 =	vld [tilespmem:s23+$0x2950]  }
0x9f: {  	v8 =	vld [tilespmem:s23+$0x120];
	v1 =	vadd.f32 v2, v1  }
0xa0: {  	s20 =	simm.s32 $0x80;
	v9 =	vld [tilespmem:s23+$0x5140]  }
0xa1: {  	v12 =	vld [tilespmem:s20+$0x130];
	v10 =	vadd.f32 v4, v1  }
0xa2: {  	v2 =	vld [tilespmem:s23+$0x2960]  }
0xa3: {  	v1 =	vld [tilespmem:s23+$0x5150];
	v11 =	vsub.f32 $0.0e+00, v10  }
0xa4: {  	v13 =	vld [tilespmem:s20+$0x2970]  }
0xa5: {  	v4 =	vld [tilespmem:s23+$0x5160];
	v11 =	vmul.f32 $1.442695020e+00, v11  }
0xa6: {  	v14 =	vld [tilespmem:s20+$0x100];
	v6 =	vadd.f32 v7, v6  }
0xa7: {  	v15 =	vld [tilespmem:s20+$0x5170];
	v3 =	vadd.f32 v5, v3;
	(erf) = vpow2.f32 v11  }
0xa8: {  	s21 =	simm.s32 $0x100;
	v17 =	vld [tilespmem:s20+$0x5160];
	v2 =	vadd.f32 v2, v8;
	v16 =	vadd.f32 v1, v6  }
0xa9: {  	v18 =	vld [tilespmem:s21+$0x2970];
	v1 =	vadd.f32 v13, v12;
	v11 =	vadd.f32 v9, v3  }
0xaa: {  	v5 =	vld [tilespmem:s20+$0x2940];
	v8 =	vadd.f32 v4, v2;
	v4 =	vsub.f32 $0.0e+00, v16  }
0xab: {  	v7 =	vld [tilespmem:s20+$0x110];
	v9 =	vsub.f32 $0.0e+00, v11  }
0xac: {  	v6 =	vld [tilespmem:s20+$0x120];
	v21 =	vadd.f32 v15, v1;
	v4 =	vmul.f32 $1.442695020e+00, v4  }
0xad: {  	v2 =	vld [tilespmem:s20+$0x2960];
	v12 =	vsub.f32 $0.0e+00, v8;
	v9 =	vmul.f32 $1.442695020e+00, v9  }
0xae: {  	v3 =	vld [tilespmem:s20+$0x2950];
	v15 =	vsub.f32 $0.0e+00, v21  }
0xaf: {  	v1 =	vld [tilespmem:s20+$0x5140];
	v12 =	vmul.f32 $1.442695020e+00, v12;
	(erf) = vpow2.f32 v9  }
0xb0: {  	v13 =	vld [tilespmem:s20+$0x5150];
	v15 =	vmul.f32 $1.442695020e+00, v15;
	(erf) = vpow2.f32 v4;
	v4 =	vpop (erf)  }
0xb1: {  	v9 =	vld [tilespmem:s21+$0x130];
	(erf) = vpow2.f32 v12;
	v4 =	vadd.f32 $1.000000000e+00, v4  }
0xb2: {  	v5 =	vadd.f32 v5, v14;
	(erf) = vpow2.f32 v15  }
0xb3: {  	v20 =	vld [tilespmem:s21+$0x5140];
	v3 =	vadd.f32 v3, v7;
	(erf) = vrcp.f32 v4;
	v4 =	vadd.f32 v2, v6  }
0xb4: {  	v14 =	vld [tilespmem:s21+$0x5170];
	v2 =	vadd.f32 v1, v5  }
0xb5: {  	v24 =	vld [tilespmem:s21+$0x5150];
	v3 =	vadd.f32 v13, v3;
	v1 =	vadd.f32 v17, v4  }
0xb6: {  	v7 =	vld [tilespmem:s21+$0x2940];
	v9 =	vadd.f32 v18, v9;
	v13 =	vsub.f32 $0.0e+00, v2  }
0xb7: {  	v12 =	vld [tilespmem:s21+$0x100];
	v4 =	vsub.f32 $0.0e+00, v3;
	v18 =	vsub.f32 $0.0e+00, v1  }
0xb8: {  	v5 =	vld [tilespmem:s21+$0x110];
	v13 =	vmul.f32 $1.442695020e+00, v13  }
0xb9: {  	v6 =	vld [tilespmem:s21+$0x2950];
	v19 =	vpop (erf);
	v23 =	vmul.f32 $1.442695020e+00, v4;
	v4 =	vadd.f32 v14, v9;
	v9 =	vmul.f32 $1.442695020e+00, v18  }
0xba: {  	v15 =	vld [tilespmem:s21+$0x120];
	v22 =	vpop (erf);
	(erf) = vpow2.f32 v13  }
0xbb: {  	s22 =	simm.s32 $0x180;
	v17 =	vld [tilespmem:s21+$0x2960];
	v14 =	vadd.f32 $1.000000000e+00, v19;
	v25 =	vpop (erf);
	(erf) = vpow2.f32 v23  }
0xbc: {  	v26 =	vld [tilespmem:s22+$0x2970];
	v23 =	vsub.f32 $0.0e+00, v4;
	v18 =	vpop (erf);
	(erf) = vpow2.f32 v9  }
0xbd: {  	v7 =	vadd.f32 v7, v12;
	v22 =	vadd.f32 $1.000000000e+00, v22;
	v13 =	vld [tilespmem:s21+$0x5160];
	v9 =	vpop (erf);
	(erf) = vrcp.f32 v14  }
0xbe: {  	v19 =	vld [tilespmem:s22+$0x130];
	v6 =	vadd.f32 v6, v5;
	v14 =	vmul.f32 $1.442695020e+00, v23;
	v9 =	vmul.f32 v9, v10  }
0xbf: {  	v5 =	vadd.f32 v20, v7;
	v18 =	vadd.f32 $1.000000000e+00, v18;
	v23 =	vld [tilespmem:s22+$0x5170];
	(erf) = vrcp.f32 v22  }
0xc0: {  	v12 =	vadd.f32 $1.000000000e+00, v25;
	v10 =	vld [tilespmem:s22+$0x100];
	(erf) = vpow2.f32 v14;
	[tilespmem:s23+$0x5130] =	vst v9;
	v9 =	vadd.f32 v17, v15  }
0xc1: {  	v6 =	vadd.f32 v24, v6;
	v14 =	vsub.f32 $0.0e+00, v5;
	(erf) = vrcp.f32 v18  }
0xc2: {  	v15 =	vld [tilespmem:s22+$0x2940];
	(erf) = vrcp.f32 v12;
	v7 =	vadd.f32 v13, v9  }
0xc3: {  	v17 =	vld [tilespmem:s22+$0x110];
	v14 =	vmul.f32 $1.442695020e+00, v14;
	v9 =	vsub.f32 $0.0e+00, v6;
	v13 =	vadd.f32 v26, v19  }
0xc4: {  	v18 =	vld [tilespmem:s22+$0x2950];
	v12 =	vpop (erf);
	v19 =	vsub.f32 $0.0e+00, v7  }
0xc5: {  	v20 =	vld [tilespmem:s22+$0x120];
	v22 =	vpop (erf);
	v60 =	vmul.f32 $1.442695020e+00, v9;
	v9 =	vadd.f32 v23, v13  }
0xc6: {  	v59 =	vld [tilespmem:s22+$0x2960];
	v27 =	vpop (erf);
	(erf) = vpow2.f32 v14;
	v22 =	vadd.f32 $1.000000000e+00, v22;
	v19 =	vmul.f32 $1.442695020e+00, v19  }
0xc7: {  	v61 =	vadd.f32 $1.000000000e+00, v12;
	v12 =	vld [tilespmem:s22+$0x5140];
	v14 =	vpop (erf);
	(erf) = vpow2.f32 v60;
	v15 =	vadd.f32 v15, v10  }
0xc8: {  	v13 =	vld [tilespmem:s22+$0x5150];
	v28 =	vsub.f32 $0.0e+00, v9;
	v23 =	vmul.f32 v14, v11;
	v62 =	vpop (erf);
	(erf) = vpow2.f32 v19  }
0xc9: {  	s24 =	simm.s32 $0x200;
	v10 =	vadd.f32 $1.000000000e+00, v27;
	v14 =	vld [tilespmem:s22+$0x5160];
	v63 =	vpop (erf);
	v25 =	vmul.f32 v62, v16;
	(erf) = vrcp.f32 v61  }
0xca: {  	v17 =	vadd.f32 v18, v17;
	v11 =	vld [tilespmem:s24+$0x130];
	v19 =	vmul.f32 $1.442695020e+00, v28;
	[tilespmem:s23+$0x5100] =	vst v23;
	(erf) = vrcp.f32 v22;
	v22 =	vpop (erf)  }
0xcb: {  	s25 =	simm.s32 $0xA00;
	v18 =	vadd.f32 v59, v20;
	v20 =	vadd.f32 $1.000000000e+00, v63;
	v16 =	vld [tilespmem:s24+$0x2970];
	[tilespmem:s23+$0x5110] =	vst v25;
	v21 =	vmul.f32 v22, v21;
	v22 =	vpop (erf)  }
.LBB2_5:
0xcc: {  	p0 =	sne.s32 s25, $0x9E00;
	v23 =	vld [tilespmem:s24+$0x100];
	v24 =	vadd.f32 v12, v15;
	(erf) = vpow2.f32 v19;
	v19 =	vmul.f32 v22, v8;
	v22 =	vmovc v6;
	v8 =	vmovc v1  }
0xcd: {  	v1 =	vmovc v7;
	v15 =	vld [tilespmem:s24+$0x5170];
	v6 =	vadd.f32 v13, v17;
	(erf) = vrcp.f32 v20;
	[tilespmem:s20+$0x5130] =	vst v21;
	v21 =	vmovc v4;
	v4 =	vmov v9  }
0xce: {  	v13 =	vld [tilespmem:s24+$0x2940];
	v20 =	vsub.f32 $0.0e+00, v24;
	v7 =	vadd.f32 v14, v18;
	(erf) = vrcp.f32 v10;
	[tilespmem:s23+$0x5120] =	vst v19;
	s23 =	smov.u32 s20;
	s20 =	smov.u32 s21;
	s21 =	smov.u32 s22  }
0xcf: {  	s22 =	smov.u32 s24;
	v14 =	vld [tilespmem:s24+$0x110];
	v10 =	vsub.f32 $0.0e+00, v6;
	v12 =	vpop (erf)  }
0xd0: {  	v17 =	vld [tilespmem:s22+$0x2950];
	v11 =	vadd.f32 v16, v11;
	v28 =	vmul.f32 $1.442695020e+00, v20;
	v29 =	vsub.f32 $0.0e+00, v7;
	v9 =	vpop (erf)  }
0xd1: {  	v19 =	vadd.f32 $1.000000000e+00, v12;
	v20 =	vld [tilespmem:s22+$0x120];
	v10 =	vmul.f32 $1.442695020e+00, v10;
	v25 =	vadd.f32 $1.000000000e+00, v9;
	v26 =	vpop (erf)  }
0xd2: {  	v27 =	vld [tilespmem:s22+$0x2960];
	v9 =	vadd.f32 v15, v11;
	v11 =	vmul.f32 $1.442695020e+00, v29;
	(erf) = vpow2.f32 v28;
	v16 =	vpop (erf)  }
.Ltmp1:
0xd3: {  	v15 =	vadd.f32 v13, v23;
	v12 =	vld [tilespmem:s22+$0x5140];
	(erf) = vpow2.f32 v10;
	v10 =	vadd.f32 $1.000000000e+00, v26;
	v18 =	vpop (erf);
	(pc) =	sbr.rel @p0 .LBB2_5-.Ltmp1, $4  }
0xd4: {  	v16 =	vmul.f32 v16, v2;
	v2 =	vmovc v5;
	v5 =	vmovc v24;
	v13 =	vld [tilespmem:s22+$0x5150];
	v28 =	vsub.f32 $0.0e+00, v9;
	(erf) = vpow2.f32 v11  }
0xd5: {  	s24 =	sshra.s32 s25, $0x2;
	v26 =	vmul.f32 v18, v3;
	v17 =	vadd.f32 v17, v14;
	v14 =	vld [tilespmem:s22+$0x5160];
	v24 =	vpop (erf);
	(erf) = vrcp.f32 v19  }
0xd6: {  	v3 =	vmov v22;
	v11 =	vld [tilespmem:s24+$0x130];
	v19 =	vmul.f32 $1.442695020e+00, v28;
	(erf) = vrcp.f32 v25;
	v23 =	vpop (erf);
	[tilespmem:s23+$0x5100] =	vst v16  }
0xd7: {  	s25 =	sadd.s32 $0x200, s25;
	v16 =	vld [tilespmem:s24+$0x2970];
	v18 =	vadd.f32 v27, v20;
	v20 =	vadd.f32 $1.000000000e+00, v24;
	v21 =	vmul.f32 v23, v21;
	[tilespmem:s23+$0x5110] =	vst v26;
	v22 =	vpop (erf)  }
0xd8: {  	v23 =	vld [tilespmem:s24+$0x100];
	v8 =	vmul.f32 v22, v8  }
0xd9: {  	v24 =	vld [tilespmem:s24+$0x5170];
	[tilespmem:s20+$0x5130] =	vst v21  }
0xda: {  	v21 =	vld [tilespmem:s24+$0x2940];
	[tilespmem:s23+$0x5120] =	vst v8  }
0xdb: {  	(erf) = vpow2.f32 v19;
	v29 =	vld [tilespmem:s24+$0x110]  }
0xdc: {  	v28 =	vadd.f32 v12, v15;
	v30 =	vld [tilespmem:s24+$0x2950]  }
0xdd: {  	v13 =	vadd.f32 v13, v17;
	v32 =	vld [tilespmem:s24+$0x120]  }
0xde: {  	(erf) = vrcp.f32 v20;
	v31 =	vsub.f32 $0.0e+00, v28;
	v14 =	vadd.f32 v14, v18;
	v34 =	vld [tilespmem:s24+$0x2960]  }
0xdf: {  	v33 =	vsub.f32 $0.0e+00, v13;
	v35 =	vpop (erf);
	v25 =	vld [tilespmem:s24+$0x5140];
	(erf) = vrcp.f32 v10;
	v11 =	vadd.f32 v16, v11  }
0xe0: {  	v36 =	vmul.f32 $1.442695020e+00, v31;
	v37 =	vsub.f32 $0.0e+00, v14;
	v38 =	vpop (erf);
	v22 =	vadd.f32 $1.000000000e+00, v35  }
0xe1: {  	v26 =	vld [tilespmem:s24+$0x5150];
	v19 =	vmul.f32 $1.442695020e+00, v33;
	v39 =	vpop (erf);
	v10 =	vadd.f32 $1.000000000e+00, v38;
	v11 =	vadd.f32 v24, v11  }
0xe2: {  	v40 =	vld [tilespmem:s24+$0x5160];
	v17 =	vmul.f32 $1.442695020e+00, v37;
	(erf) = vpow2.f32 v36;
	v41 =	vpop (erf);
	v21 =	vadd.f32 v21, v23  }
0xe3: {  	(erf) = vpow2.f32 v19;
	v42 =	vpop (erf);
	v43 =	vsub.f32 $0.0e+00, v11;
	v12 =	vadd.f32 v30, v29  }
0xe4: {  	(erf) = vpow2.f32 v17;
	v18 =	vadd.f32 v34, v32;
	v44 =	vpop (erf);
	v45 =	vadd.f32 v25, v21  }
0xe5: {  	(erf) = vrcp.f32 v22;
	v17 =	vmul.f32 $1.442695020e+00, v43;
	v15 =	vadd.f32 $1.000000000e+00, v44  }
0xe6: {  	v12 =	vadd.f32 v26, v12;
	(erf) = vrcp.f32 v10;
	v46 =	vsub.f32 $0.0e+00, v45  }
0xe7: {  	v47 =	vadd.f32 $1.000000000e+00, v39;
	v16 =	vadd.f32 v40, v18;
	(erf) = vpow2.f32 v17  }
0xe8: {  	v48 =	vsub.f32 $0.0e+00, v12;
	(erf) = vrcp.f32 v15;
	v10 =	vmul.f32 $1.442695020e+00, v46  }
0xe9: {  	v50 =	vpop (erf);
	v49 =	vsub.f32 $0.0e+00, v16;
	(erf) = vrcp.f32 v47  }
0xea: {  	v51 =	vpop (erf);
	v17 =	vmul.f32 $1.442695020e+00, v48;
	(erf) = vpow2.f32 v10  }
0xeb: {  	v15 =	vmul.f32 $1.442695020e+00, v49;
	v52 =	vpop (erf)  }
0xec: {  	(erf) = vpow2.f32 v17;
	v53 =	vpop (erf)  }
0xed: {  	(erf) = vpow2.f32 v15;
	v54 =	vpop (erf)  }
0xee: {  	v22 =	vpop (erf)  }
0xef: {  	v10 =	vadd.f32 $1.000000000e+00, v52;
	v55 =	vpop (erf)  }
0xf0: {  	v17 =	vadd.f32 $1.000000000e+00, v53;
	v56 =	vpop (erf)  }
0xf1: {  	v2 =	vmul.f32 v41, v2;
	(erf) = vrcp.f32 v10;
	v57 =	vpop (erf);
	v58 =	vadd.f32 $1.000000000e+00, v56  }
0xf2: {  	v3 =	vmul.f32 v42, v3;
	(erf) = vrcp.f32 v17;
	v59 =	vpop (erf)  }
0xf3: {  	[tilespmem:s20+$0x5100] =	vst v2;
	v2 =	vmul.f32 v50, v4;
	v60 =	vpop (erf);
	(erf) = vrcp.f32 v58  }
0xf4: {  	[tilespmem:s20+$0x5110] =	vst v3;
	v1 =	vmul.f32 v51, v1;
	v15 =	vadd.f32 $1.000000000e+00, v54  }
0xf5: {  	[tilespmem:s21+$0x5130] =	vst v2;
	v2 =	vmul.f32 v22, v5;
	v61 =	vpop (erf);
	v17 =	vadd.f32 $1.000000000e+00, v60  }
0xf6: {  	[tilespmem:s20+$0x5120] =	vst v1;
	(erf) = vrcp.f32 v15;
	v10 =	vadd.f32 $1.000000000e+00, v61;
	v62 =	vpop (erf)  }
0xf7: {  	[tilespmem:s21+$0x5100] =	vst v2;
	v2 =	vmul.f32 v57, v9;
	v63 =	vadd.f32 $1.000000000e+00, v62;
	(erf) = vrcp.f32 v17  }
0xf8: {  	v1 =	vmul.f32 v55, v6;
	(erf) = vrcp.f32 v10  }
0xf9: {  	(erf) = vrcp.f32 v63  }
0xfa: {  	[tilespmem:s21+$0x5110] =	vst v1;
	v1 =	vmul.f32 v59, v7;
	v3 =	vpop (erf)  }
0xfb: {  	[tilespmem:s22+$0x5130] =	vst v2;
	v2 =	vpop (erf);
	v3 =	vmul.f32 v3, v28  }
0xfc: {  	[tilespmem:s21+$0x5120] =	vst v1;
	v1 =	vmul.f32 v2, v13;
	v2 =	vpop (erf)  }
0xfd: {  	v2 =	vmul.f32 v2, v11;
	_ =	sdelay $0x1  }
0xfe: {  	[tilespmem:s22+$0x5100] =	vst v3;
	v3 =	vpop (erf)  }
0xff: {  	[tilespmem:s22+$0x5110] =	vst v1;
	v1 =	vmul.f32 v3, v14;
	v3 =	vpop (erf)  }
0x100: {  	[tilespmem:s24+$0x5130] =	vst v2;
	v3 =	vmul.f32 v3, v45;
	v2 =	vpop (erf)  }
0x101: {  	[tilespmem:s22+$0x5120] =	vst v1;
	v1 =	vmul.f32 v2, v12;
	v2 =	vpop (erf)  }
0x102: {  	s19 =	sadd.s32 $0x1, s19;
	[tilespmem:s24+$0x5100] =	vst v3;
	v2 =	vmul.f32 v2, v16  }
0x103: {  	p0 =	sne.s32 s19, $0x7D;
	[tilespmem:s24+$0x5110] =	vst v1  }
.Ltmp2:
0x104: {  	[tilespmem:s24+$0x5120] =	vst v2;
	(pc) =	sbr.rel @p0 .LBB2_4-.Ltmp2, $4  }
0x105: {  	[spmem:s2] =	stream.indirect.scatter.add.f32 [tilespmem:s14], [sflag:$0x4], $0x80, s10, s11, $0xb8;
	[tilespmem:$0x1C900] =	vst v63  }
0x106: {  	_ =	swait.ge [sflag:s3], $0x2800  }
0x107: {  	[sflag:s3] =	ssyncset.done $0x0  }
0x108: {  	[sflag:s3] =	ssyncadd.s32 $0xFFFFD800  }
0x109: {  	s18 =	stileid.u32  }
0x10a: {  	[bflag:$0x0] =	sbarrier.arrive $0xFFFF;
	s18 =	sshll.u32 s18, $0x6  }
0x10b: {  	s19 =	sshrl.u32 s9, $0x3;
	s20 =	rddreg [dreg:$0x4];
	s18 =	sor.u32 $0x1C04, s18  }
0x10c: {  	[hbm:s20], [sflag:s18] =	dma.local [spmem:s19], $0x2800  }
0x10d: {  	_ =	swait.ge [sflag:s3], $0x2800  }
0x10e: {  	s4 =	sadd.s32 $0x1, s4;
	s25 =	rddreg [dreg:$0x5]  }
0x10f: {  	p0 =	sne.s32 s4, s25  }
.Ltmp3:
0x110: {  	_ = 	snop;
	(pc) =	sbr.rel @p0 .LBB2_1-.Ltmp3, $3  }
0x111: {  	_ =	sdelay $0x1  }
0x112: {  	[sflag:s3] =	ssyncset.done $0x0  }
0x113: {  	[sflag:s3] =	ssyncadd.s32 $0xFFFFD800  }
0x114: {  	_ =	sfence.sel $0x180000  }
0x115: {  	[bflag:$0x0] =	sbarrier.arrive $0xFFFF  }
0x116: {  	_ =	strace $0x9000004A  }
0x117: {  	s0 =	stileid.u32;
	[bflag:$0x2] =	sbarrier.arrive $0xFFFF  }
0x118: {  	p0 =	sne.s32 s0, $0x0;
	s0 =	rddreg [dreg:$0x3]  }
0x119: {  	s0 =	sadd.s32 @!p0 $0x100000, s0  }
0x11a: {  	[sflag:s0] =	ssyncadd.tile.s32 @!p0 $0x1;
	_ =	shalt  }
.Lfunc_end2:
_tile_overlayer_lowered:
.L_overlay_start_2:
0x11b: {  	(tag) =	ssettag $0x2  }
0x11c: {  	s0 =	rddreg [dreg:$0x0];
	s2 =	stileid.u32  }
0x11d: {  	s1 =	rddreg [dreg:$0x1];
	p0 =	sne.s32 s2, $0x0  }
0x11e: {  	s3 =	rddreg [dreg:$0x2];
	[bflag:$0x3] =	sbarrier.arrive $0xFFFF;
	s2 =	simm.s32 @!p0 $0x1C04  }
0x11f: {  	[timem:s3], [sflag:s2] =	dma.local @!p0 [hbm:s0], s1  }
0x120: {  	s0 =	simm.s32 @!p0 $0x4  }
0x121: {  	_ =	swait.ge @!p0 [sflag:s0], s1  }
0x122: {  	s1 =	ssub.s32 @!p0 $0x0, s1;
	[sflag:s0] =	ssyncset.done @!p0 $0x0  }
0x123: {  	[sflag:s0] =	ssyncadd.s32 @!p0 s1  }
0x124: {  	[bflag:$0x3] =	sbarrier.arrive $0xFFFF  }
0x125: {  	_ =	shalt  }

// kernel: kernel.8.cloned.1.call-start
scs
__scs_entry_jumppad:
0x0: {  	(pc) =	sbr.rel $0x88, $3  }
0x1: {  	(tag) =	ssettag $0x0;
	lr =	simm.s32 $0x1  }
0x2: {  	[smem:$0x3F90] =	sst lr;
	_ =	strace $0xD0000000  }
0x3: {  	_ = 	snop  }
0x4: {  	_ = 	snop  }
0x5: {  	_ = 	snop  }
0x6: {  	_ = 	snop  }
0x7: {  	_ = 	snop  }
__scs_overlays_trampoline_lowered:
0x8: {  	[smem:$0x3F9F] =	sst s0  }
0x9: {  	[smem:$0x3FA0] =	sst s1  }
0xa: {  	[smem:$0x3FA1] =	sst s2  }
0xb: {  	[smem:$0x3FA2] =	sst s3  }
0xc: {  	[smem:$0x3FA3] =	sst s4  }
0xd: {  	[smem:$0x3FA4] =	sst s5  }
0xe: {  	[smem:$0x3FA5] =	sst s6  }
0xf: {  	[smem:$0x3FA6] =	sst s7  }
0x10: {  	[smem:$0x3FA7] =	sst s8  }
0x11: {  	[smem:$0x3FA8] =	sst s9;
	s0 =	simm.s32 @!p0 $0x0  }
0x12: {  	s1 =	sld [smem:$0x3F8E];
	s0 =	simm.s32 @p0 $0x1  }
0x13: {  	[smem:$0x3FA9] =	sst s0;
	s0 =	simm.s32 @!p1 $0x0  }
0x14: {  	s2 =	sld [smem:$0x3F8D];
	s0 =	simm.s32 @p1 $0x1  }
0x15: {  	[smem:$0x3FAA] =	sst s0;
	s0 =	simm.s32 @!p2 $0x0  }
0x16: {  	s3 =	sld [smem:$0x3FDB];
	s0 =	simm.s32 @p2 $0x1  }
0x17: {  	s4 =	simm.s32 $0x1BF5;
	[smem:$0x3FAC] =	sst s0  }
0x18: {  	s0 =	sld [smem:$0x3F8F];
	_ =	swait.ge [sflag:s4], $0x0  }
0x19: {  	s7 =	sld [smem:$0x3F90]  }
0x1a: {  	s8 =	sadd.s32 $0xFFFFE003, lr  }
0x1b: {  	s9 =	sadd.s32 $0xFFFFFEF7, lr;
	s5 =	simm.s32 $0xFFFFFFFF;
	p2 =	slt.u32 s8, $0xFFFFF086  }
0x1c: {  	p1 =	slt.u32 s9, $0xF7A;
	s5 =	simm.s32 @!p2 $0x0  }
0x1d: {  	s5 =	simm.s32 @p1 $0x1;
	p0 =	seq.s32 s7, s2  }
0x1e: {  	s7 =	smul.u32 @!p0 $0xF7A, s2;
	p2 =	seq.s32 @!p0 s5, $0x0  }
0x1f: {  	s9 =	smul.u32 $0xF7A, s1;
	s8 =	simm.s32 @!p0 $0x1BF5;
	p2 =	por !p2, p0  }
0x20: {  	[sflag:s8] =	ssyncset.s32 @!p0 $0xFFFFF086;
	s6 =	sadd.s32 @!p0 s3, s7;
	s7 =	simm.s32 @!p0 $0x108  }
0x21: {  	s3 =	sadd.s32 s3, s9;
	s6 =	sadd.s32 @!p0 $0x88, s6;
	s7 =	simm.s32 @p2 $0x1082  }
0x22: {  	[simem:s7], [sflag:s8] =	dma.local @!p0 [hbm:s6], $0xF7A  }
0x23: {  	s9 =	sor.u32 $0xD0000000, s2;
	s6 =	simm.s32 $0x108;
	_ =	swait.ge @!p0 [sflag:s8], $0x0  }
0x24: {  	s3 =	sadd.s32 $0x88, s3;
	s6 =	simm.s32 @!p1 $0x1082;
	[sflag:s4] =	ssyncset.s32 $0xFFFFF086  }
0x25: {  	[simem:s6], [sflag:s4] =	dma.local [hbm:s3], $0xF7A  }
0x26: {  	[smem:$0x3F90] =	sst s1;
	(tag) =	ssettag s2;
	_ =	strace s9  }
0x27: {  	s1 =	sld [smem:$0x3FA0]  }
0x28: {  	s2 =	sld [smem:$0x3FA1]  }
0x29: {  	s4 =	sld [smem:$0x3FA3]  }
0x2a: {  	p0 =	seq.s32 s5, $0x0;
	s5 =	sld [smem:$0x3FA4]  }
0x2b: {  	s6 =	sld [smem:$0x3FA5]  }
0x2c: {  	s7 =	sld [smem:$0x3FA6]  }
0x2d: {  	s3 =	simm.s32 $0x108;
	s8 =	sld [smem:$0x3FA7]  }
0x2e: {  	s3 =	simm.s32 @!p0 $0x1082;
	s9 =	sld [smem:$0x3FA8]  }
0x2f: {  	lr =	sadd.s32 s0, s3;
	s0 =	sld [smem:$0x3F9F]  }
0x30: {  	s3 =	sld [smem:$0x3FA2]  }
0x31: {  	[smem:$0x3FAB] =	sst s10  }
0x32: {  	s10 =	sld [smem:$0x3FA9];
	_ =	sdelay $0x3  }
0x33: {  	p0 =	seq.s32 s10, $0x1;
	s10 =	sld [smem:$0x3FAB];
	_ =	sdelay $0x3  }
0x34: {  	[smem:$0x3FAB] =	sst s10  }
0x35: {  	s10 =	sld [smem:$0x3FAA];
	_ =	sdelay $0x3  }
0x36: {  	p1 =	seq.s32 s10, $0x1;
	s10 =	sld [smem:$0x3FAB];
	_ =	sdelay $0x3  }
0x37: {  	[smem:$0x3FAB] =	sst s10  }
0x38: {  	s10 =	sld [smem:$0x3FAC]  }
0x39: {  	_ = 	snop;
	(pc) =	sbr.ind lr, $3  }
0x3a: {  	_ = 	snop  }
0x3b: {  	_ = 	snop  }
0x3c: {  	p2 =	seq.s32 s10, $0x1;
	s10 =	sld [smem:$0x3FAB]  }
0x3d: {  	_ =	shalt  }
0x3e: {  	_ =	shalt  }
0x3f: {  	_ =	shalt  }
0x40: {  	_ =	shalt  }
0x41: {  	_ =	shalt  }
0x42: {  	_ =	shalt  }
0x43: {  	_ =	shalt  }
0x44: {  	_ =	shalt  }
0x45: {  	_ =	shalt  }
0x46: {  	_ =	shalt  }
0x47: {  	_ =	shalt  }
0x48: {  	_ =	shalt  }
0x49: {  	_ =	shalt  }
0x4a: {  	_ =	shalt  }
0x4b: {  	_ =	shalt  }
0x4c: {  	_ =	shalt  }
0x4d: {  	_ =	shalt  }
0x4e: {  	_ =	shalt  }
0x4f: {  	_ =	shalt  }
0x50: {  	_ =	shalt  }
0x51: {  	_ =	shalt  }
0x52: {  	_ =	shalt  }
0x53: {  	_ =	shalt  }
0x54: {  	_ =	shalt  }
0x55: {  	_ =	shalt  }
0x56: {  	_ =	shalt  }
0x57: {  	_ =	shalt  }
0x58: {  	_ =	shalt  }
0x59: {  	_ =	shalt  }
0x5a: {  	_ =	shalt  }
0x5b: {  	_ =	shalt  }
0x5c: {  	_ =	shalt  }
0x5d: {  	_ =	shalt  }
0x5e: {  	_ =	shalt  }
0x5f: {  	_ =	shalt  }
0x60: {  	_ =	shalt  }
0x61: {  	_ =	shalt  }
0x62: {  	_ =	shalt  }
0x63: {  	_ =	shalt  }
0x64: {  	_ =	shalt  }
0x65: {  	_ =	shalt  }
0x66: {  	_ =	shalt  }
0x67: {  	_ =	shalt  }
0x68: {  	_ =	shalt  }
0x69: {  	_ =	shalt  }
0x6a: {  	_ =	shalt  }
0x6b: {  	_ =	shalt  }
0x6c: {  	_ =	shalt  }
0x6d: {  	_ =	shalt  }
0x6e: {  	_ =	shalt  }
0x6f: {  	_ =	shalt  }
0x70: {  	_ =	shalt  }
0x71: {  	_ =	shalt  }
0x72: {  	_ =	shalt  }
0x73: {  	_ =	shalt  }
0x74: {  	_ =	shalt  }
0x75: {  	_ =	shalt  }
0x76: {  	_ =	shalt  }
0x77: {  	_ =	shalt  }
0x78: {  	_ =	shalt  }
0x79: {  	_ =	shalt  }
0x7a: {  	_ =	shalt  }
0x7b: {  	_ =	shalt  }
0x7c: {  	_ =	shalt  }
0x7d: {  	_ =	shalt  }
0x7e: {  	_ =	shalt  }
0x7f: {  	_ =	shalt  }
0x80: {  	_ =	shalt  }
0x81: {  	_ =	shalt  }
0x82: {  	_ =	shalt  }
0x83: {  	_ =	shalt  }
0x84: {  	_ =	shalt  }
0x85: {  	_ =	shalt  }
0x86: {  	_ =	shalt  }
0x87: {  	_ =	shalt  }
.Lfunc_end0:
.L_simem_size_0:
called_computation_lowered:
.L_overlay_start_0:
0x88: {  	s2 =	sld [smem:$0x3FD9]  }
0x89: {  	s3 =	sld [smem:$0x3FFE];
	_ =	sdelay $0x1  }
0x8a: {  	s1 =	srdreg.scid  }
0x8b: {  	s0 =	sand.u32 $0x1, s1  }
0x8c: {  	s17 =	sshll.u32 s0, $0xA;
	s2 =	sadd.s32 s3, s2  }
0x8d: {  	s2 =	sadd.s32 s2, s17  }
0x8e: {  	[smem:$0x3FB7] =	sst s2  }
0x8f: {  	_ = 	snop  }
0x90: {  	s2 =	sld [smem:$0x3FD0];
	(tm) =	ssettm $0x1  }
0x91: {  	s18 =	sld [smem:$0x3FFB];
	_ =	sdelay $0x3  }
0x92: {  	_ =	strace s18  }
0x93: {  	s3 =	sld [smem:$0x3FFC];
	_ =	sdelay $0x3  }
0x94: {  	_ =	strace s3  }
0x95: {  	s3 =	sld [smem:$0x3FFD];
	_ =	sdelay $0x3  }
0x96: {  	_ =	strace s3  }
0x97: {  	_ =	strace $0x8FFFFFFF  }
0x98: {  	s19 =	sld [smem:$0x3FDB];
	_ =	sdelay $0x1  }
0x99: {  	s4 =	simm.s32 $_scs_section_size  }
0x9a: {  	s5 =	simm.s32 $_size__tile_overlayer_lowered;
	s6 =	simm.s32 $_tile_overlayer_lowered  }
0x9b: {  	s22 =	simm.s32 $0x1BFF;
	s21 =	sshll.u32 s6, $0x1;
	s3 =	sadd.s32 s4, s19  }
0x9c: {  	s7 =	simm.s32 $0x0;
	s20 =	sshll.u32 s5, $0x1;
	s5 =	sadd.s32 s21, s3  }
0x9d: {  	[timem:s7], [sflag:s22] =	dma.local [hbm:s5], s20  }
0x9e: {  	_ =	swait.ge [sflag:s22], s20  }
0x9f: {  	s4 =	ssub.s32 $0x0, s20;
	[sflag:s22] =	ssyncset.done $0x0  }
0xa0: {  	[sflag:s22] =	ssyncadd.s32 s4;
	_ =	sdelay $0x1  }
0xa1: {  	s23 =	simm.s32 $0x1B8B  }
0xa2: {  	_ =	swait.ge [sflag:s23], $0x1  }
0xa3: {  	[sflag:s23] =	ssyncset.done $0x0  }
0xa4: {  	s25 =	simm.s32 $0x1B8E;
	s24 =	sld [smem:$0x3FFE];
	[sflag:s23] =	ssyncadd.s32 $0xFFFFFFFF  }
0xa5: {  	s26 =	simm.s32 $execute0_lowered;
	[smem:$0x3FD2] =	sst s25  }
0xa6: {  	s5 =	sshll.u32 s26, $0x1;
	_ =	strace $0x80000046;
	[dreg:$0x1] =	wrdreg $0xFFFFFFFF  }
0xa7: {  	s28 =	simm.s32 $_size_execute0_lowered;
	s3 =	sadd.s32 s3, s5;
	[dreg:$0x0] =	wrdreg $0x0  }
0xa8: {  	s5 =	sshll.u32 s28, $0x1;
	[dreg:$0x2] =	wrdreg s3  }
0xa9: {  	[dreg:$0x3] =	wrdreg s5  }
0xaa: {  	[dreg:$0x4] =	wrdreg $0xC0  }
0xab: {  	_ =	task [dreg:s7], $0x5FFFF  }
0xac: {  	[dreg:$0x1] =	wrdreg $0xFFFFFFFF  }
0xad: {  	[dreg:$0x0] =	wrdreg $0x60  }
0xae: {  	[dreg:$0x2] =	wrdreg s24  }
0xaf: {  	[dreg:$0x3] =	wrdreg s2  }
0xb0: {  	[dreg:$0x4] =	wrdreg $0x89000  }
0xb1: {  	[dreg:$0x5] =	wrdreg $0x9  }
0xb2: {  	_ =	task.clear_ibuf [dreg:s7], $0x6FFFF;
	_ =	strace $0x90000046  }
0xb3: {  	s29 =	simm.s32 $0x9;
	_ =	strace $0x80000048  }
0xb4: {  	_ =	swait.ge [sflag:s29], $0x1  }
0xb5: {  	[sflag:s29] =	ssyncadd.s32 $0xFFFFFFFF  }
0xb6: {  	_ =	strace $0x90000048  }
0xb7: {  	_ =	sfence  }
0xb8: {  	s30 =	sld [smem:$0x0];
	_ =	sdelay $0x2  }
0xb9: {  	s31 =	sshll.u32 s1, $0xD;
	s1 =	sshrl.u32 s1, $0x2  }
0xba: {  	s3 =	sand.u32 $0x4000, s31;
	s1 =	sadd.s32 s1, s30  }
0xbb: {  	s0 =	sor.u32 s3, s0;
	s1 =	sshll.u32 s1, $0x11  }
0xbc: {  	s0 =	sor.u32 s1, s0  }
0xbd: {  	s0 =	sadd.s32 $0x8F2B, s0  }
0xbe: {  	[sflag:s0] =	ssyncadd.remote.s32 $0x1  }
0xbf: {  	_ =	sfence.sel $0xFFFF  }
0xc0: {  	[dreg:$0x0] =	wrdreg $0xFFFFFFFF;
	(pc) =	sbr.abs _section_cstart, $3  }
0xc1: {  	[dreg:$0x1] =	wrdreg $0xFFFFFFFF  }
0xc2: {  	_ =	task.clear_ibuf [dreg:s7], $0x2FFFF;
	_ =	strace $0x9FFFFFFF  }
0xc3: {  	(tm) =	ssettm $0x7FFFFFFF  }
tec
execute0_lowered:
.L_overlay_start_1:
0x0: {  	(tag) =	ssettag $0x1  }
0x1: {  	s0 =	rddreg [dreg:$0x0]  }
0x2: {  	s1 =	rddreg [dreg:$0x1]  }
0x3: {  	s2 =	rddreg [dreg:$0x2];
	s3 =	srdreg.scid  }
0x4: {  	s4 =	simm.s32 $0x0;
	s11 =	stileid.u32;
	s3 =	sand.u32 $0x1, s3  }
0x5: {  	[smem:$0x7FF] =	sst s4;
	s9 =	smul.u32 $0x14000, s11;
	s6 =	sadd.s32 $0x4F0A00, s0  }
0x6: {  	s5 =	sadd.s32 $0x4C00, s0;
	s7 =	sadd.s32 $0x4E6C00, s0;
	s10 =	smul.u32 $0x50000, s11  }
0x7: {  	s11 =	sshll.u32 s11, $0x1;
	s8 =	smul.u32 $0x140000, s3;
	s12 =	ssub.s32 $0x2, s3  }
0x8: {  	_ =	strace $0x80000047;
	s3 =	sor.u32 s3, s11;
	s13 =	sshrl.u32 s12, $0x1  }
0x9: {  	s11 =	simm.s32 $0x50;
	s14 =	sshrl.u32 s10, $0x2;
	s12 =	ssub.s32 s12, s13  }
0xa: {  	s8 =	sadd.s32 s9, s8;
	s9 =	sadd.s32 s14, s2;
	s15 =	smax.u32 s12, $0x1  }
0xb: {  	s10 =	simm.s32 $0x80;
	s16 =	sadd.s32 $0x1000, s9;
	[dreg:$0x5] =	wrdreg s15  }
0xc: {  	s13 =	simm.s32 $0x2900;
	s17 =	sadd.s32 $0x2000, s9;
	[dreg:$0x6] =	wrdreg s16  }
0xd: {  	s14 =	simm.s32 $0x5100;
	s18 =	sadd.s32 $0x3000, s9;
	[dreg:$0x7] =	wrdreg s17  }
0xe: {  	s8 =	sshrl.u32 s8, $0x3;
	s19 =	sadd.s32 $0x4000, s9;
	[dreg:$0x8] =	wrdreg s18  }
0xf: {  	s20 =	sadd.s32 $0x5000, s9;
	s21 =	sadd.s32 $0x6000, s9;
	[dreg:$0x9] =	wrdreg s19  }
0x10: {  	s22 =	sadd.s32 $0x7000, s9;
	s23 =	sadd.s32 $0x8000, s9;
	[dreg:$0xa] =	wrdreg s20  }
0x11: {  	s24 =	sadd.s32 $0x9000, s9;
	s25 =	sadd.s32 $0xA000, s9;
	[dreg:$0xb] =	wrdreg s21  }
0x12: {  	s26 =	sadd.s32 $0xB000, s9;
	s28 =	sadd.s32 $0x10000, s9;
	[dreg:$0xc] =	wrdreg s22  }
0x13: {  	s29 =	sadd.s32 $0x11000, s9;
	s30 =	sadd.s32 $0x12000, s9;
	[dreg:$0xd] =	wrdreg s23  }
0x14: {  	s31 =	sadd.s32 $0x13000, s9;
	s12 =	simm.s32 $0x100;
	[dreg:$0xe] =	wrdreg s24  }
0x15: {  	s0 =	sadd.s32 s8, s0;
	s8 =	smul.u32 $0x2710, s3;
	[dreg:$0xf] =	wrdreg s25  }
0x16: {  	[dreg:$0x10] =	wrdreg s26;
	s23 =	sadd.s32 $0xC000, s9;
	s24 =	sadd.s32 $0xD000, s9  }
0x17: {  	s25 =	sadd.s32 $0xE000, s9;
	s26 =	sadd.s32 $0xF000, s9;
	s3 =	simm.s32 $0x4  }
0x18: {  	s15 =	simm.s32 $0x1;
	s16 =	simm.s32 $0x2;
	s0 =	sadd.s32 $0x53000, s0  }
0x19: {  	v0 =	vimm.f32 $0.0e+00;
	s17 =	simm.s32 $0x3;
	[dreg:$0x4] =	wrdreg s0;
	s0 =	simm.s32 $0x7900  }
.LBB2_1:
0x1a: {  	s18 =	simm.s32 $0x0;
	s19 =	simm.s32 $0x200  }
.LBB2_2:
0x1b: {  	p0 =	sne.s32 s19, $0x3E00;
	[tilespmem:s18+$0x7970] =	vst v0  }
0x1c: {  	[tilespmem:s18+$0x7900] =	vst v0  }
0x1d: {  	[tilespmem:s18+$0x7910] =	vst v0  }
.Ltmp0:
0x1e: {  	[tilespmem:s18+$0x7920] =	vst v0;
	(pc) =	sbr.rel @p0 .LBB2_2-.Ltmp0, $4  }
0x1f: {  	[tilespmem:s18+$0x7930] =	vst v0  }
0x20: {  	[tilespmem:s18+$0x7940] =	vst v0  }
0x21: {  	[tilespmem:s18+$0x7950] =	vst v0  }
0x22: {  	[tilespmem:s18+$0x7960] =	vst v0;
	s18 =	sshra.s32 s19, $0x2;
	s19 =	sadd.s32 $0x200, s19  }
0x23: {  	[tilespmem:s18+$0x7970] =	vst v0  }
0x24: {  	[tilespmem:s18+$0x7900] =	vst v0  }
0x25: {  	[tilespmem:s18+$0x7910] =	vst v0  }
0x26: {  	[tilespmem:s18+$0x7920] =	vst v0  }
0x27: {  	[tilespmem:s18+$0x7930] =	vst v0  }
0x28: {  	[tilespmem:s18+$0x7940] =	vst v0  }
0x29: {  	[tilespmem:s18+$0x7950] =	vst v0  }
0x2a: {  	[tilespmem:s18+$0x7960] =	vst v0  }
0x2b: {  	[spmem:s9] =	stream.linear.scatter [tilespmem:s0], [sflag:$0x4], $0x1000, $0x38;
	[tilespmem:$0x1C900] =	vst v63  }
0x2c: {  	_ =	swait.ge [sflag:s3], $0x1000  }
0x2d: {  	[sflag:s3] =	ssyncset.done $0x0  }
0x2e: {  	s20 =	rddreg [dreg:$0x6];
	[sflag:s3] =	ssyncadd.s32 $0xFFFFF000  }
0x2f: {  	[spmem:s20] =	stream.linear.scatter [tilespmem:s0], [sflag:$0x4], $0x1000, $0x38;
	[tilespmem:$0x1C900] =	vst v63  }
0x30: {  	_ =	swait.ge [sflag:s3], $0x1000  }
0x31: {  	[sflag:s3] =	ssyncset.done $0x0  }
0x32: {  	s21 =	rddreg [dreg:$0x7];
	[sflag:s3] =	ssyncadd.s32 $0xFFFFF000  }
0x33: {  	[spmem:s21] =	stream.linear.scatter [tilespmem:s0], [sflag:$0x4], $0x1000, $0x38;
	[tilespmem:$0x1C900] =	vst v63  }
0x34: {  	_ =	swait.ge [sflag:s3], $0x1000  }
0x35: {  	[sflag:s3] =	ssyncset.done $0x0  }
0x36: {  	s22 =	rddreg [dreg:$0x8];
	[sflag:s3] =	ssyncadd.s32 $0xFFFFF000  }
0x37: {  	[spmem:s22] =	stream.linear.scatter [tilespmem:s0], [sflag:$0x4], $0x1000, $0x38;
	[tilespmem:$0x1C900] =	vst v63  }
0x38: {  	_ =	swait.ge [sflag:s3], $0x1000  }
0x39: {  	[sflag:s3] =	ssyncset.done $0x0  }
0x3a: {  	s19 =	rddreg [dreg:$0x9];
	[sflag:s3] =	ssyncadd.s32 $0xFFFFF000  }
0x3b: {  	[spmem:s19] =	stream.linear.scatter [tilespmem:s0], [sflag:$0x4], $0x1000, $0x38;
	[tilespmem:$0x1C900] =	vst v63  }
0x3c: {  	_ =	swait.ge [sflag:s3], $0x1000  }
0x3d: {  	[sflag:s3] =	ssyncset.done $0x0  }
0x3e: {  	s20 =	rddreg [dreg:$0xa];
	[sflag:s3] =	ssyncadd.s32 $0xFFFFF000  }
0x3f: {  	[spmem:s20] =	stream.linear.scatter [tilespmem:s0], [sflag:$0x4], $0x1000, $0x38;
	[tilespmem:$0x1C900] =	vst v63  }
0x40: {  	_ =	swait.ge [sflag:s3], $0x1000  }
0x41: {  	[sflag:s3] =	ssyncset.done $0x0  }
0x42: {  	s21 =	rddreg [dreg:$0xb];
	[sflag:s3] =	ssyncadd.s32 $0xFFFFF000  }
0x43: {  	[spmem:s21] =	stream.linear.scatter [tilespmem:s0], [sflag:$0x4], $0x1000, $0x38;
	[tilespmem:$0x1C900] =	vst v63  }
0x44: {  	_ =	swait.ge [sflag:s3], $0x1000  }
0x45: {  	[sflag:s3] =	ssyncset.done $0x0  }
0x46: {  	s22 =	rddreg [dreg:$0xc];
	[sflag:s3] =	ssyncadd.s32 $0xFFFFF000  }
0x47: {  	[spmem:s22] =	stream.linear.scatter [tilespmem:s0], [sflag:$0x4], $0x1000, $0x38;
	[tilespmem:$0x1C900] =	vst v63  }
0x48: {  	_ =	swait.ge [sflag:s3], $0x1000  }
0x49: {  	[sflag:s3] =	ssyncset.done $0x0  }
0x4a: {  	s19 =	rddreg [dreg:$0xd];
	[sflag:s3] =	ssyncadd.s32 $0xFFFFF000  }
0x4b: {  	[spmem:s19] =	stream.linear.scatter [tilespmem:s0], [sflag:$0x4], $0x1000, $0x38;
	[tilespmem:$0x1C900] =	vst v63  }
0x4c: {  	_ =	swait.ge [sflag:s3], $0x1000  }
0x4d: {  	[sflag:s3] =	ssyncset.done $0x0  }
0x4e: {  	s20 =	rddreg [dreg:$0xe];
	[sflag:s3] =	ssyncadd.s32 $0xFFFFF000  }
0x4f: {  	[spmem:s20] =	stream.linear.scatter [tilespmem:s0], [sflag:$0x4], $0x1000, $0x38;
	[tilespmem:$0x1C900] =	vst v63  }
0x50: {  	_ =	swait.ge [sflag:s3], $0x1000  }
0x51: {  	[sflag:s3] =	ssyncset.done $0x0  }
0x52: {  	s21 =	rddreg [dreg:$0xf];
	[sflag:s3] =	ssyncadd.s32 $0xFFFFF000  }
0x53: {  	[spmem:s21] =	stream.linear.scatter [tilespmem:s0], [sflag:$0x4], $0x1000, $0x38;
	[tilespmem:$0x1C900] =	vst v63  }
0x54: {  	_ =	swait.ge [sflag:s3], $0x1000  }
0x55: {  	[sflag:s3] =	ssyncset.done $0x0  }
0x56: {  	s22 =	rddreg [dreg:$0x10];
	[sflag:s3] =	ssyncadd.s32 $0xFFFFF000  }
0x57: {  	[spmem:s22] =	stream.linear.scatter [tilespmem:s0], [sflag:$0x4], $0x1000, $0x38;
	[tilespmem:$0x1C900] =	vst v63  }
0x58: {  	_ =	swait.ge [sflag:s3], $0x1000  }
0x59: {  	[sflag:s3] =	ssyncset.done $0x0  }
0x5a: {  	[sflag:s3] =	ssyncadd.s32 $0xFFFFF000  }
0x5b: {  	[spmem:s23] =	stream.linear.scatter [tilespmem:s0], [sflag:$0x4], $0x1000, $0x38;
	[tilespmem:$0x1C900] =	vst v63  }
0x5c: {  	_ =	swait.ge [sflag:s3], $0x1000  }
0x5d: {  	[sflag:s3] =	ssyncset.done $0x0  }
0x5e: {  	[sflag:s3] =	ssyncadd.s32 $0xFFFFF000  }
0x5f: {  	[spmem:s24] =	stream.linear.scatter [tilespmem:s0], [sflag:$0x4], $0x1000, $0x38;
	[tilespmem:$0x1C900] =	vst v63  }
0x60: {  	_ =	swait.ge [sflag:s3], $0x1000  }
0x61: {  	[sflag:s3] =	ssyncset.done $0x0  }
0x62: {  	[sflag:s3] =	ssyncadd.s32 $0xFFFFF000  }
0x63: {  	[spmem:s25] =	stream.linear.scatter [tilespmem:s0], [sflag:$0x4], $0x1000, $0x38;
	[tilespmem:$0x1C900] =	vst v63  }
0x64: {  	_ =	swait.ge [sflag:s3], $0x1000  }
0x65: {  	[sflag:s3] =	ssyncset.done $0x0  }
0x66: {  	[sflag:s3] =	ssyncadd.s32 $0xFFFFF000  }
0x67: {  	[spmem:s26] =	stream.linear.scatter [tilespmem:s0], [sflag:$0x4], $0x1000, $0x38;
	[tilespmem:$0x1C900] =	vst v63  }
0x68: {  	_ =	swait.ge [sflag:s3], $0x1000  }
0x69: {  	[sflag:s3] =	ssyncset.done $0x0  }
0x6a: {  	[sflag:s3] =	ssyncadd.s32 $0xFFFFF000  }
0x6b: {  	[spmem:s28] =	stream.linear.scatter [tilespmem:s0], [sflag:$0x4], $0x1000, $0x38;
	[tilespmem:$0x1C900] =	vst v63  }
0x6c: {  	_ =	swait.ge [sflag:s3], $0x1000  }
0x6d: {  	[sflag:s3] =	ssyncset.done $0x0  }
0x6e: {  	[sflag:s3] =	ssyncadd.s32 $0xFFFFF000  }
0x6f: {  	[spmem:s29] =	stream.linear.scatter [tilespmem:s0], [sflag:$0x4], $0x1000, $0x38;
	[tilespmem:$0x1C900] =	vst v63  }
0x70: {  	_ =	swait.ge [sflag:s3], $0x1000  }
0x71: {  	[sflag:s3] =	ssyncset.done $0x0  }
0x72: {  	[sflag:s3] =	ssyncadd.s32 $0xFFFFF000  }
0x73: {  	[spmem:s30] =	stream.linear.scatter [tilespmem:s0], [sflag:$0x4], $0x1000, $0x38;
	[tilespmem:$0x1C900] =	vst v63  }
0x74: {  	_ =	swait.ge [sflag:s3], $0x1000  }
0x75: {  	[sflag:s3] =	ssyncset.done $0x0  }
0x76: {  	[sflag:s3] =	ssyncadd.s32 $0xFFFFF000  }
0x77: {  	[spmem:s31] =	stream.linear.scatter [tilespmem:s0], [sflag:$0x4], $0x1000, $0x38;
	[tilespmem:$0x1C900] =	vst v63  }
0x78: {  	_ =	swait.ge [sflag:s3], $0x1000  }
0x79: {  	[sflag:s3] =	ssyncset.done $0x0  }
0x7a: {  	[sflag:s3] =	ssyncadd.s32 $0xFFFFF000  }
0x7b: {  	s18 =	simm.s32 $0x0;
	s19 =	simm.s32 $0x0;
	[bflag:$0x0] =	sbarrier.arrive $0xFFFF  }
.LBB2_4:
0x7c: {  	s20 =	smul.u32 $0x50, s19;
	_ =	sdelay $0x1  }
0x7d: {  	s20 =	sadd.s32 s8, s20  }
0x7e: {  	s21 =	sshrl.u32 s20, $0x3  }
0x7f: {  	s22 =	sadd.s32 s7, s21  }
0x80: {  	[tilespmem:s18], [sflag:$0x4] =	stream.linear.gather [hbm4b:s22+s18], $0x50, $0x38;
	[tilespmem:$0x1C900] =	vst v63  }
0x81: {  	_ =	swait.ge [sflag:s3], $0x50  }
0x82: {  	[sflag:s3] =	ssyncset.done $0x0  }
0x83: {  	s21 =	sadd.s32 s1, s21;
	[sflag:s3] =	ssyncadd.s32 $0xFFFFFFB0  }
0x84: {  	[tilespmem:s10], [sflag:$0x4] =	stream.linear.gather [hbm4b:s21+s18], $0x50, $0x38;
	[tilespmem:$0x1C900] =	vst v63  }
0x85: {  	_ =	swait.ge [sflag:s3], $0x50  }
0x86: {  	[sflag:s3] =	ssyncset.done $0x0  }
0x87: {  	[sflag:s3] =	ssyncadd.s32 $0xFFFFFFB0  }
0x88: {  	[tilespmem:s12], [sflag:$0x1] =	stream.indirect.gather [hbm4b:s5+s11], $0x80, s18, s11, $0xb8;
	[tilespmem:$0x1C900] =	vst v63  }
0x89: {  	s20 =	sshll.u32 s20, $0x4  }
0x8a: {  	[tilespmem:s13], [sflag:$0x2] =	stream.indirect.gather [hbm4b:s5+s11], $0x80, s10, s11, $0xb8;
	[tilespmem:$0x1C900] =	vst v63  }
0x8b: {  	s20 =	sadd.s32 s6, s20  }
0x8c: {  	[tilespmem:s14], [sflag:$0x3] =	stream.linear.gather [hbm4b:s20+s18], $0x2800, $0x38;
	[tilespmem:$0x1C900] =	vst v63  }
0x8d: {  	_ =	swait.ge [sflag:s15], $0x2800  }
0x8e: {  	[sflag:s15] =	ssyncset.done $0x0  }
0x8f: {  	[sflag:s15] =	ssyncadd.s32 $0xFFFFD800  }
0x90: {  	_ =	swait.ge [sflag:s16], $0x2800  }
0x91: {  	[sflag:s16] =	ssyncset.done $0x0  }
0x92: {  	[sflag:s16] =	ssyncadd.s32 $0xFFFFD800  }
0x93: {  	_ =	swait.ge [sflag:s17], $0x2800  }
0x94: {  	[sflag:s17] =	ssyncset.done $0x0  }
0x95: {  	s20 =	simm.s32 $0x0;
	[sflag:s17] =	ssyncadd.s32 $0xFFFFD800  }
0x96: {  	v1 =	vld [tilespmem:s20+$0x100]  }
0x97: {  	v2 =	vld [tilespmem:s20+$0x2940]  }
0x98: {  	v3 =	vld [tilespmem:s20+$0x110]  }
0x99: {  	v4 =	vld [tilespmem:s20+$0x2950]  }
0x9a: {  	v5 =	vld [tilespmem:s20+$0x120]  }
0x9b: {  	v6 =	vld [tilespmem:s20+$0x2960]  }
0x9c: {  	v7 =	vld [tilespmem:s20+$0x130]  }
0x9d: {  	v8 =	vld [tilespmem:s20+$0x5100]  }
0x9e: {  	v9 =	vld [tilespmem:s20+$0x5110]  }
0x9f: {  	v10 =	vld [tilespmem:s20+$0x2970]  }
0xa0: {  	v11 =	vld [tilespmem:s20+$0x5120]  }
0xa1: {  	v1 =	vadd.f32 v2, v1;
	v2 =	vld [tilespmem:s20+$0x5130]  }
0xa2: {  	v3 =	vadd.f32 v4, v3  }
0xa3: {  	v8 =	vadd.f32 v8, v1;
	v1 =	vadd.f32 v6, v5  }
0xa4: {  	v9 =	vadd.f32 v9, v3;
	v3 =	vadd.f32 v10, v7  }
0xa5: {  	v4 =	vsub.f32 $0.0e+00, v8;
	v10 =	vadd.f32 v11, v1  }
0xa6: {  	v1 =	vsub.f32 $0.0e+00, v9;
	v11 =	vadd.f32 v2, v3  }
0xa7: {  	v2 =	vmul.f32 $1.442695020e+00, v4;
	v3 =	vsub.f32 $0.0e+00, v10  }
0xa8: {  	v1 =	vmul.f32 $1.442695020e+00, v1;
	v4 =	vsub.f32 $0.0e+00, v11  }
0xa9: {  	(erf) = vpow2.f32 v2;
	v2 =	vmul.f32 $1.442695020e+00, v3  }
0xaa: {  	v3 =	vmul.f32 $1.442695020e+00, v4;
	(erf) = vpow2.f32 v1  }
0xab: {  	(erf) = vpow2.f32 v2  }
0xac: {  	(erf) = vpow2.f32 v3;
	_ =	sdelay $0x5  }
0xad: {  	v1 =	vpop (erf)  }
0xae: {  	v1 =	vadd.f32 $1.000000000e+00, v1;
	v2 =	vpop (erf)  }
0xaf: {  	v2 =	vadd.f32 $1.000000000e+00, v2;
	v3 =	vpop (erf)  }
0xb0: {  	(erf) = vrcp.f32 v1;
	v1 =	vadd.f32 $1.000000000e+00, v3;
	v3 =	vpop (erf)  }
0xb1: {  	v3 =	vadd.f32 $1.000000000e+00, v3;
	(erf) = vrcp.f32 v2  }
0xb2: {  	(erf) = vrcp.f32 v1  }
0xb3: {  	(erf) = vrcp.f32 v3  }
0xb4: {  	s21 =	simm.s32 $0x80  }
0xb5: {  	v5 =	vld [tilespmem:s21+$0x2950]  }
0xb6: {  	v6 =	vld [tilespmem:s21+$0x2960]  }
0xb7: {  	v4 =	vld [tilespmem:s21+$0x2940]  }
0xb8: {  	v2 =	vld [tilespmem:s21+$0x110]  }
0xb9: {  	v1 =	vld [tilespmem:s21+$0x100];
	v7 =	vpop (erf)  }
0xba: {  	v3 =	vld [tilespmem:s21+$0x120];
	v12 =	vmul.f32 v7, v8;
	v13 =	vpop (erf)  }
0xbb: {  	v7 =	vld [tilespmem:s21+$0x130];
	v13 =	vmul.f32 v13, v9;
	v14 =	vpop (erf)  }
0xbc: {  	v8 =	vld [tilespmem:s21+$0x2970];
	[tilespmem:s20+$0x5100] =	vst v12;
	v63 =	vpop (erf);
	v10 =	vmul.f32 v14, v10  }
0xbd: {  	s22 =	simm.s32 $0x400;
	v9 =	vld [tilespmem:s21+$0x5100];
	[tilespmem:s20+$0x5110] =	vst v13;
	v11 =	vmul.f32 v63, v11  }
.LBB2_5:
0xbe: {  	p0 =	sne.s32 s22, $0x9E00;
	v12 =	vld [tilespmem:s21+$0x5110];
	[tilespmem:s20+$0x5120] =	vst v10  }
0xbf: {  	v10 =	vld [tilespmem:s21+$0x5120];
	[tilespmem:s20+$0x5130] =	vst v11;
	s20 =	smov.u32 s21  }
0xc0: {  	v1 =	vadd.f32 v4, v1;
	v4 =	vld [tilespmem:s20+$0x5130]  }
0xc1: {  	v2 =	vadd.f32 v5, v2  }
0xc2: {  	v9 =	vadd.f32 v9, v1;
	v1 =	vadd.f32 v6, v3  }
0xc3: {  	v11 =	vadd.f32 v12, v2;
	v2 =	vadd.f32 v8, v7  }
0xc4: {  	v3 =	vsub.f32 $0.0e+00, v9;
	v10 =	vadd.f32 v10, v1  }
0xc5: {  	v1 =	vsub.f32 $0.0e+00, v11;
	v12 =	vadd.f32 v4, v2  }
0xc6: {  	v2 =	vmul.f32 $1.442695020e+00, v3;
	v3 =	vsub.f32 $0.0e+00, v10  }
0xc7: {  	v1 =	vmul.f32 $1.442695020e+00, v1;
	v4 =	vsub.f32 $0.0e+00, v12  }
0xc8: {  	v3 =	vmul.f32 $1.442695020e+00, v3;
	(erf) = vpow2.f32 v2  }
0xc9: {  	v2 =	vmul.f32 $1.442695020e+00, v4;
	(erf) = vpow2.f32 v1  }
0xca: {  	(erf) = vpow2.f32 v3  }
0xcb: {  	(erf) = vpow2.f32 v2;
	_ =	sdelay $0x5  }
0xcc: {  	v1 =	vpop (erf)  }
0xcd: {  	v4 =	vadd.f32 $1.000000000e+00, v1;
	v2 =	vpop (erf)  }
0xce: {  	v2 =	vadd.f32 $1.000000000e+00, v2;
	v3 =	vpop (erf)  }
0xcf: {  	v3 =	vadd.f32 $1.000000000e+00, v3;
	(erf) = vrcp.f32 v4;
	v1 =	vpop (erf)  }
0xd0: {  	v1 =	vadd.f32 $1.000000000e+00, v1;
	(erf) = vrcp.f32 v2  }
0xd1: {  	(erf) = vrcp.f32 v3  }
0xd2: {  	(erf) = vrcp.f32 v1  }
0xd3: {  	s21 =	sshra.s32 s22, $0x2  }
0xd4: {  	v1 =	vld [tilespmem:s21+$0x100]  }
0xd5: {  	v4 =	vld [tilespmem:s21+$0x2940]  }
0xd6: {  	v2 =	vld [tilespmem:s21+$0x110]  }
0xd7: {  	v5 =	vld [tilespmem:s21+$0x2950]  }
.Ltmp1:
0xd8: {  	v3 =	vld [tilespmem:s21+$0x120];
	v7 =	vpop (erf);
	(pc) =	sbr.rel @p0 .LBB2_5-.Ltmp1, $4  }
0xd9: {  	v6 =	vld [tilespmem:s21+$0x2960];
	v9 =	vmul.f32 v7, v9;
	v8 =	vpop (erf)  }
0xda: {  	v7 =	vld [tilespmem:s21+$0x130];
	v11 =	vmul.f32 v8, v11;
	v13 =	vpop (erf)  }
0xdb: {  	v8 =	vld [tilespmem:s21+$0x2970];
	[tilespmem:s20+$0x5100] =	vst v9;
	v10 =	vmul.f32 v13, v10;
	v13 =	vpop (erf)  }
0xdc: {  	s22 =	sadd.s32 $0x200, s22;
	v9 =	vld [tilespmem:s21+$0x5100];
	[tilespmem:s20+$0x5110] =	vst v11;
	v11 =	vmul.f32 v13, v12  }
0xdd: {  	v12 =	vld [tilespmem:s21+$0x5110];
	[tilespmem:s20+$0x5120] =	vst v10  }
0xde: {  	v10 =	vld [tilespmem:s21+$0x5120];
	[tilespmem:s20+$0x5130] =	vst v11  }
0xdf: {  	v1 =	vadd.f32 v4, v1;
	v49 =	vld [tilespmem:s21+$0x5130]  }
0xe0: {  	v2 =	vadd.f32 v5, v2  }
0xe1: {  	v3 =	vadd.f32 v6, v3;
	v1 =	vadd.f32 v9, v1  }
0xe2: {  	v50 =	vadd.f32 v8, v7;
	v2 =	vadd.f32 v12, v2  }
0xe3: {  	v51 =	vsub.f32 $0.0e+00, v1;
	v3 =	vadd.f32 v10, v3  }
0xe4: {  	v52 =	vsub.f32 $0.0e+00, v2;
	v4 =	vadd.f32 v49, v50  }
0xe5: {  	v53 =	vmul.f32 $1.442695020e+00, v51;
	v54 =	vsub.f32 $0.0e+00, v3  }
0xe6: {  	v7 =	vmul.f32 $1.442695020e+00, v52;
	v55 =	vsub.f32 $0.0e+00, v4  }
0xe7: {  	v6 =	vmul.f32 $1.442695020e+00, v54;
	(erf) = vpow2.f32 v53  }
0xe8: {  	v56 =	vmul.f32 $1.442695020e+00, v55;
	(erf) = vpow2.f32 v7  }
0xe9: {  	(erf) = vpow2.f32 v6  }
0xea: {  	(erf) = vpow2.f32 v56;
	_ =	sdelay $0x5  }
0xeb: {  	v57 =	vpop (erf)  }
0xec: {  	v5 =	vadd.f32 $1.000000000e+00, v57;
	v58 =	vpop (erf)  }
0xed: {  	v6 =	vadd.f32 $1.000000000e+00, v58;
	v59 =	vpop (erf)  }
0xee: {  	v7 =	vadd.f32 $1.000000000e+00, v59;
	(erf) = vrcp.f32 v5;
	v60 =	vpop (erf)  }
0xef: {  	v5 =	vadd.f32 $1.000000000e+00, v60;
	(erf) = vrcp.f32 v6  }
0xf0: {  	(erf) = vrcp.f32 v7  }
0xf1: {  	(erf) = vrcp.f32 v5;
	_ =	sdelay $0x5  }
0xf2: {  	v61 =	vpop (erf)  }
0xf3: {  	v1 =	vmul.f32 v61, v1;
	v62 =	vpop (erf)  }
0xf4: {  	v2 =	vmul.f32 v62, v2;
	v63 =	vpop (erf)  }
0xf5: {  	[tilespmem:s21+$0x5100] =	vst v1;
	v1 =	vmul.f32 v63, v3;
	v3 =	vpop (erf)  }
0xf6: {  	s19 =	sadd.s32 $0x1, s19;
	[tilespmem:s21+$0x5110] =	vst v2;
	v2 =	vmul.f32 v3, v4  }
0xf7: {  	p0 =	sne.s32 s19, $0x7D;
	[tilespmem:s21+$0x5120] =	vst v1  }
.Ltmp2:
0xf8: {  	[tilespmem:s21+$0x5130] =	vst v2;
	(pc) =	sbr.rel @p0 .LBB2_4-.Ltmp2, $4  }
0xf9: {  	[spmem:s2] =	stream.indirect.scatter.add.f32 [tilespmem:s14], [sflag:$0x4], $0x80, s10, s11, $0xb8;
	[tilespmem:$0x1C900] =	vst v63  }
0xfa: {  	_ =	swait.ge [sflag:s3], $0x2800  }
0xfb: {  	[sflag:s3] =	ssyncset.done $0x0  }
0xfc: {  	[sflag:s3] =	ssyncadd.s32 $0xFFFFD800  }
0xfd: {  	s18 =	stileid.u32  }
0xfe: {  	[bflag:$0x0] =	sbarrier.arrive $0xFFFF;
	s18 =	sshll.u32 s18, $0x6  }
0xff: {  	s19 =	sshrl.u32 s9, $0x3;
	s20 =	rddreg [dreg:$0x4];
	s18 =	sor.u32 $0x1C04, s18  }
0x100: {  	[hbm:s20], [sflag:s18] =	dma.local [spmem:s19], $0x2800  }
0x101: {  	_ =	swait.ge [sflag:s3], $0x2800  }
0x102: {  	s4 =	sadd.s32 $0x1, s4;
	s22 =	rddreg [dreg:$0x5]  }
0x103: {  	p0 =	sne.s32 s4, s22  }
.Ltmp3:
0x104: {  	_ = 	snop;
	(pc) =	sbr.rel @p0 .LBB2_1-.Ltmp3, $3  }
0x105: {  	_ =	sdelay $0x1  }
0x106: {  	[sflag:s3] =	ssyncset.done $0x0  }
0x107: {  	[sflag:s3] =	ssyncadd.s32 $0xFFFFD800  }
0x108: {  	_ =	sfence.sel $0x180000  }
0x109: {  	[bflag:$0x0] =	sbarrier.arrive $0xFFFF  }
0x10a: {  	_ =	strace $0x90000047  }
0x10b: {  	s0 =	stileid.u32;
	[bflag:$0x2] =	sbarrier.arrive $0xFFFF  }
0x10c: {  	p0 =	sne.s32 s0, $0x0;
	s0 =	rddreg [dreg:$0x3]  }
0x10d: {  	s0 =	sadd.s32 @!p0 $0x100000, s0  }
0x10e: {  	[sflag:s0] =	ssyncadd.tile.s32 @!p0 $0x1;
	_ =	shalt  }
.Lfunc_end2:
_tile_overlayer_lowered:
.L_overlay_start_2:
0x10f: {  	(tag) =	ssettag $0x2  }
0x110: {  	s0 =	rddreg [dreg:$0x0];
	s2 =	stileid.u32  }
0x111: {  	s1 =	rddreg [dreg:$0x1];
	p0 =	sne.s32 s2, $0x0  }
0x112: {  	s3 =	rddreg [dreg:$0x2];
	[bflag:$0x3] =	sbarrier.arrive $0xFFFF;
	s2 =	simm.s32 @!p0 $0x1C04  }
0x113: {  	[timem:s3], [sflag:s2] =	dma.local @!p0 [hbm:s0], s1  }
0x114: {  	s0 =	simm.s32 @!p0 $0x4  }
0x115: {  	_ =	swait.ge @!p0 [sflag:s0], s1  }
0x116: {  	s1 =	ssub.s32 @!p0 $0x0, s1;
	[sflag:s0] =	ssyncset.done @!p0 $0x0  }
0x117: {  	[sflag:s0] =	ssyncadd.s32 @!p0 s1  }
0x118: {  	[bflag:$0x3] =	sbarrier.arrive $0xFFFF  }
0x119: {  	_ =	shalt  }

</sc_bundles>
